<compile_context>
chip_gen: v7x
topology: tpu7x:2x2x1
jax: 0.10.2.dev20260603
libtpu: 0.0.44.dev20260713+nightly
codegen_flags: <defaults>
</compile_context>

<pallas_src>
import functools

import jax
import jax.numpy as jnp
from jax import lax
from jax.experimental import pallas as pl
from jax.experimental.pallas import tpu as pltpu
from jax.experimental.pallas import tpu_sc as plsc

_NC = 2
_NS = 16
_NW = _NC * _NS
_CH = 128
_L = 16
_BC = 8
_IB = _BC * _CH
_ZR = 40


def _acc_rows(n):
    unit = _NS * _ZR
    return (n + 1 + unit - 1) // unit * unit


@functools.lru_cache(maxsize=None)
def _make_agg(n, d, e_pad):
    na = _acc_rows(n)
    zr = na // _NS
    ept = e_pad // _NW
    t_steps = ept // _CH
    pairs = t_steps // 2
    blocks_per_tile = ept // _IB
    mesh = plsc.VectorSubcoreMesh(core_axis_name="c", subcore_axis_name="s")

    @functools.partial(
        pl.kernel,
        out_type=jax.ShapeDtypeStruct((_NC * na, d), jnp.float32),
        mesh=mesh,
        scratch_types=[
            pltpu.VMEM((_BC, _CH), jnp.int32),
            pltpu.VMEM((_BC, _CH), jnp.int32),
            pltpu.VMEM((_CH,), jnp.int32),
            pltpu.VMEM((_CH,), jnp.int32),
            pltpu.VMEM((_CH,), jnp.int32),
            pltpu.VMEM((_CH,), jnp.int32),
            pltpu.VMEM((_CH, d), jnp.float32),
            pltpu.VMEM((_CH, d), jnp.float32),
            pltpu.VMEM((_ZR, d), jnp.float32),
            pltpu.VMEM_SHARED((na, d), jnp.float32),
            pltpu.SemaphoreType.DMA,
            pltpu.SemaphoreType.DMA,
            pltpu.SemaphoreType.DMA,
            pltpu.SemaphoreType.DMA,
        ],
        compiler_params=pltpu.CompilerParams(needs_layout_passes=False),
    )
    def agg(x_hbm, src_hbm, dst_hbm, out_hbm, sblk, dblk, srcb0, srcb1,
            dstb0, dstb1, rows0, rows1, zer_v, acc_sh,
            semg0, semg1, sems0, sems1):
        c = lax.axis_index("c")
        s = lax.axis_index("s")
        wid = c * _NS + s

        zvec = jnp.zeros((_L,), jnp.float32)
        cpr = d // _L

        def zbody(i, carry):
            zer_v[i // cpr, pl.ds((i % cpr) * _L, _L)] = zvec
            return carry

        lax.fori_loop(0, _ZR * cpr, zbody, 0)
        for i in range(zr // _ZR):
            pltpu.sync_copy(zer_v, acc_sh.at[pl.ds(s * zr + i * _ZR, _ZR)])
        plsc.subcore_barrier()

        def load_block(g):
            gb = wid * blocks_per_tile + g
            pltpu.sync_copy(src_hbm.at[gb], sblk)
            pltpu.sync_copy(dst_hbm.at[gb], dblk)

        def prep(t, srcb, dstb):
            row = t % _BC

            def kbody(k, carry2):
                sl = pl.ds(k * _L, _L)
                srcb[sl] = sblk[row, sl]
                dstb[sl] = dblk[row, sl]
                return carry2

            lax.fori_loop(0, _CH // _L, kbody, 0)

        def start_gather(srcb, rows, semg):
            pltpu.async_copy(x_hbm.at[srcb], rows, semg)

        def wait_gather(srcb, rows, semg):
            pltpu.make_async_copy(x_hbm.at[srcb], rows, semg).wait()

        def start_scatter(rows, dstb, sems):
            pltpu.async_copy(rows, acc_sh.at[dstb], sems, add=True)

        def wait_scatter(rows, dstb, sems):
            pltpu.make_async_copy(rows, acc_sh.at[dstb], sems).wait()

        load_block(0)
        prep(0, srcb0, dstb0)
        start_gather(srcb0, rows0, semg0)

        def pbody(p, carry):
            t0 = 2 * p

            @pl.when(p > 0)
            def _():
                wait_scatter(rows1, dstb1, sems1)

            prep(t0 + 1, srcb1, dstb1)
            start_gather(srcb1, rows1, semg1)
            wait_gather(srcb0, rows0, semg0)
            start_scatter(rows0, dstb0, sems0)

            wait_scatter(rows0, dstb0, sems0)

            @pl.when((p % (_BC // 2)) == (_BC // 2 - 1))
            def _():
                g = (2 * p + 2) // _BC

                @pl.when(g < blocks_per_tile)
                def _():
                    load_block(g)

            @pl.when(p < pairs - 1)
            def _():
                prep(t0 + 2, srcb0, dstb0)
                start_gather(srcb0, rows0, semg0)

            wait_gather(srcb1, rows1, semg1)
            start_scatter(rows1, dstb1, sems1)
            return carry

        lax.fori_loop(0, pairs, pbody, 0)
        wait_scatter(rows1, dstb1, sems1)
        plsc.subcore_barrier()

        pltpu.sync_copy(acc_sh.at[pl.ds(s * zr, zr)],
                        out_hbm.at[pl.ds(c * na + s * zr, zr)])

    return agg


@functools.lru_cache(maxsize=None)
def _make_counts(n, e_pad):
    na = _acc_rows(n)
    ept = e_pad // _NW
    blocks_per_tile = ept // _IB
    mesh = plsc.VectorSubcoreMesh(core_axis_name="c", subcore_axis_name="s")

    @functools.partial(
        pl.kernel,
        out_type=jax.ShapeDtypeStruct((_NW, na), jnp.float32),
        mesh=mesh,
        scratch_types=[
            pltpu.VMEM((_BC, _CH), jnp.int32),
            pltpu.VMEM((na,), jnp.float32),
        ],
        compiler_params=pltpu.CompilerParams(needs_layout_passes=False),
    )
    def counts(dst_hbm, out_hbm, dblk, cnt_v):
        c = lax.axis_index("c")
        s = lax.axis_index("s")
        wid = c * _NS + s

        zvec = jnp.zeros((_L,), jnp.float32)

        def zbody(i, carry):
            cnt_v[pl.ds(i * _L, _L)] = zvec
            return carry

        lax.fori_loop(0, na // _L, zbody, 0)

        ones = jnp.ones((_L,), jnp.float32)
        steps_per_block = _IB // _L

        def gbody(g, carry):
            pltpu.sync_copy(dst_hbm.at[wid * blocks_per_tile + g], dblk)

            def ibody(i, carry2):
                row = i // (_CH // _L)
                k = i % (_CH // _L)
                v = dblk[row, pl.ds(k * _L, _L)]
                plsc.addupdate_scatter(cnt_v, [v], ones)
                return carry2

            lax.fori_loop(0, steps_per_block, ibody, 0)
            return carry

        lax.fori_loop(0, blocks_per_tile, gbody, 0)
        pltpu.sync_copy(cnt_v, out_hbm.at[wid])

    return counts


@functools.lru_cache(maxsize=None)
def _make_mlp(n, d):
    na = _acc_rows(n)

    def body(parts_ref, x_ref, cnt_ref, w1_ref, b1_ref, g_ref, be_ref,
             w2_ref, b2_ref, fl_ref, out_ref):
        agg = parts_ref[0:n, :] + parts_ref[na:na + n, :]
        cnt = jnp.max(cnt_ref[...], axis=1, keepdims=True)
        mean = agg / jnp.maximum(cnt, 1.0)
        h = x_ref[...] + mean
        z = lax.dot_general(h, w1_ref[...], (((1,), (1,)), ((), ())),
                            preferred_element_type=jnp.float32)
        z = z + b1_ref[...][None, :]
        mu = jnp.mean(z, axis=0, keepdims=True)
        zc = z - mu
        var = jnp.mean(zc * zc, axis=0, keepdims=True)
        zn = zc * (g_ref[...][None, :] * lax.rsqrt(var + 1e-5))
        zn = zn + be_ref[...][None, :]
        act = jnp.maximum(zn, 0.0)
        o = lax.dot_general(act, w2_ref[...], (((1,), (1,)), ((), ())),
                            preferred_element_type=jnp.float32)
        o = o + b2_ref[...][None, :]
        out_ref[...] = jnp.where(fl_ref[...] > 0.0, jnp.maximum(o, 0.0), o)

    return pl.pallas_call(
        body,
        out_shape=jax.ShapeDtypeStruct((n, d), jnp.float32),
    )


def kernel(x, edge_index, W1_0, b1_0, g_0, be_0, W2_0, b2_0,
           W1_1, b1_1, g_1, be_1, W2_1, b2_1):
    n, d = x.shape
    e = edge_index.shape[1]
    na = _acc_rows(n)
    ept = ((e + _NW - 1) // _NW + _IB - 1) // _IB * _IB
    e_pad = ept * _NW
    pad_e = e_pad - e

    pad_i = jnp.arange(pad_e, dtype=jnp.int32)
    src_p = jnp.concatenate(
        [edge_index[0].astype(jnp.int32), pad_i % jnp.int32(n)])
    dst_p = jnp.concatenate(
        [edge_index[1].astype(jnp.int32), n + pad_i % jnp.int32(na - n)])
    src_p = src_p.reshape(-1, _BC, _CH)
    dst_p = dst_p.reshape(-1, _BC, _CH)
    xf = x.astype(jnp.float32)

    agg = _make_agg(n, d, e_pad)
    mlp = _make_mlp(n, d)

    cnts = _make_counts(n, e_pad)(dst_p)
    cnt8 = jnp.broadcast_to(jnp.sum(cnts, axis=0)[:n, None], (n, 8))

    w1s = jnp.stack([W1_0, W1_1])
    b1s = jnp.stack([b1_0, b1_1])
    gs = jnp.stack([g_0, g_1])
    bes = jnp.stack([be_0, be_1])
    w2s = jnp.stack([W2_0, W2_1])
    b2s = jnp.stack([b2_0, b2_1])
    flags = jnp.stack([jnp.ones((1, d), jnp.float32),
                       jnp.zeros((1, d), jnp.float32)])

    def step(carry, xs):
        w1, b1, g, be, w2, b2, fl = xs
        parts = agg(carry, src_p, dst_p)
        h = mlp(parts, carry, cnt8, w1, b1, g, be, w2, b2, fl)
        return h, None

    hfinal, _ = lax.scan(step, xf, (w1s, b1s, gs, bes, w2s, b2s, flags))
    return hfinal

# --- scband reference (transcript-rebuilt; emitter-appended) ---
"""Pipeline reference for scband-gin-70282844831797 (READ-ONLY COPY).

The authoritative reference and input builder live on the scoring server;
editing this copy changes nothing except your own understanding.
"""

import jax, jax.numpy as jnp
import numpy as np

N = 10000
E = 320000
D = 128
H = 128

def setup_inputs(seed: int = 0) -> dict:
    key = jax.random.key(seed)
    ks = jax.random.split(key, 16)
    inp = {}
    inp["x"] = jax.random.normal(ks[0], (N, D), dtype=jnp.float32)
    inp["edge_index"] = jax.random.randint(ks[1], (2, E), 0, N)
    # layer 0 MLP params: Linear(D,H), BatchNorm1d(H), ReLU, Linear(H,H)
    inp["W1_0"] = jax.random.normal(ks[2], (H, D), dtype=jnp.float32) / np.sqrt(D)
    inp["b1_0"] = jnp.zeros((H,), dtype=jnp.float32)
    inp["g_0"] = jnp.ones((H,), dtype=jnp.float32)
    inp["be_0"] = jnp.zeros((H,), dtype=jnp.float32)
    inp["W2_0"] = jax.random.normal(ks[3], (H, H), dtype=jnp.float32) / np.sqrt(H)
    inp["b2_0"] = jnp.zeros((H,), dtype=jnp.float32)
    # layer 1 MLP params
    inp["W1_1"] = jax.random.normal(ks[4], (H, H), dtype=jnp.float32) / np.sqrt(H)
    inp["b1_1"] = jnp.zeros((H,), dtype=jnp.float32)
    inp["g_1"] = jnp.ones((H,), dtype=jnp.float32)
    inp["be_1"] = jnp.zeros((H,), dtype=jnp.float32)
    inp["W2_1"] = jax.random.normal(ks[5], (H, H), dtype=jnp.float32) / np.sqrt(H)
    inp["b2_1"] = jnp.zeros((H,), dtype=jnp.float32)
    return inp

def _mlp(h, W1, b1, g, be, W2, b2):
    h = h @ W1.T + b1
    # BatchNorm1d in training mode: batch statistics, biased variance
    mu = jnp.mean(h, axis=0)
    var = jnp.var(h, axis=0)
    h = (h - mu) / jnp.sqrt(var + 1e-5) * g + be
    h = jax.nn.relu(h)
    return h @ W2.T + b2

def _gin_conv(x, src, dst, W1, b1, g, be, W2, b2):
    # flow source_to_target: messages from edge_index[0] aggregated at edge_index[1]
    msg = jnp.take(x, src, axis=0)
    summed = jax.ops.segment_sum(msg, dst, num_segments=N)
    cnt = jax.ops.segment_sum(jnp.ones((src.shape[0],), dtype=x.dtype), dst, num_segments=N)
    mean = summed / jnp.clip(cnt, 1.0, None)[:, None]
    # eps=0, train_eps=False: out = nn((1+eps)*x + aggr)
    return _mlp(x + mean, W1, b1, g, be, W2, b2)

def reference(x, edge_index, W1_0, b1_0, g_0, be_0, W2_0, b2_0, W1_1, b1_1, g_1, be_1, W2_1, b2_1):
    src = edge_index[0]
    dst = edge_index[1]
    h = _gin_conv(x.astype(jnp.float32), src, dst, W1_0, b1_0, g_0, be_0, W2_0, b2_0)
    h = jax.nn.relu(h)
    h = _gin_conv(h, src, dst, W1_1, b1_1, g_1, be_1, W2_1, b2_1)
    return h

if __name__ == "__main__":
    import jax
    _d = setup_inputs()
    print(jax.jit(kernel)(*tuple(_d.values())))

</pallas_src>

<mosaic_0001>
#map = affine_map<(d0, d1) -> (0, 0, 0)>
#map1 = affine_map<(d0, d1) -> (0, 0)>
module attributes {stable_mosaic.version = 14 : i64} {
  func.func @counts(%arg0: i32, %arg1: i32, %arg2: memref<320x8x128xi32, #tpu.memory_space<hbm>>, %arg3: memref<32x10240xf32, #tpu.memory_space<hbm>>, %arg4: memref<8x128xi32, #tpu.memory_space<vmem>>, %arg5: memref<10240xf32, #tpu.memory_space<vmem>>) attributes {dimension_semantics = [#tpu.dimension_semantics<core_parallel>, #tpu.dimension_semantics<subcore_parallel>], iteration_bounds = array<i64: 2, 16>, scalar_prefetch = 0 : i64, scratch_operands = 2 : i64, tpu.core_type = #tpu.core_type<sc_vector_subcore>, window_params = [{transform_indices = #map}, {transform_indices = #map1}]} {
    %mul3A = arith.constant 16 : i32
    %mul3A_0 = arith.muli %arg0, %mul3A : i32
    %add3A = arith.addi %mul3A_0, %arg1 : i32
    %broadcast_in_dim3A = arith.constant 0.000000e+00 : f32
    %broadcast_in_dim3A_1 = vector.broadcast %broadcast_in_dim3A : f32 to vector<16xf32>
    %scan3A = arith.constant 0 : i32
    %scan3A_2 = arith.constant 0 : i32
    %scan3A_3 = arith.constant 640 : i32
    %scan3A_4 = arith.addi %scan3A_2, %scan3A_3 : i32
    %scan3A_5 = arith.constant 1 : i32
    scf.for %scan3A_15 = %scan3A_2 to %scan3A_4 step %scan3A_5  : i32 {
      %mul3A_16 = arith.constant 16 : i32
      %mul3A_17 = arith.muli %scan3A_15, %mul3A_16 : i32
      %swap3A = arith.index_cast %mul3A_17 : i32 to index
      %swap3A_18 = tpu.vector_load %arg5[%swap3A] {strides = array<i32>} : memref<10240xf32, #tpu.memory_space<vmem>>, vector<16xf32>,
      tpu.vector_store %arg5[%swap3A], %broadcast_in_dim3A_1 {strides = array<i32>} : memref<10240xf32, #tpu.memory_space<vmem>>, vector<16xf32>,
    }
    %scan3A_6 = arith.constant 640 : i32
    %broadcast_in_dim3A_7 = arith.constant 1.000000e+00 : f32
    %broadcast_in_dim3A_8 = vector.broadcast %broadcast_in_dim3A_7 : f32 to vector<16xf32>
    %scan3A_9 = arith.constant 0 : i32
    %scan3A_10 = arith.constant 0 : i32
    %scan3A_11 = arith.constant 10 : i32
    %scan3A_12 = arith.addi %scan3A_10, %scan3A_11 : i32
    %scan3A_13 = arith.constant 1 : i32
    scf.for %scan3A_15 = %scan3A_10 to %scan3A_12 step %scan3A_13  : i32 {
      %mul3A_16 = arith.constant 10 : i32
      %mul3A_17 = arith.muli %add3A, %mul3A_16 : i32
      %add3A_18 = arith.addi %mul3A_17, %scan3A_15 : i32
      "tpu.region"() ({
        %run_scoped3A = tpu.sem_alloc : memref<!tpu.dma_semaphore, #tpu.memory_space<semaphore_mem>>
        %dma_start3A = arith.constant 0 : i32
        %dma_start3A_25 = arith.constant 0 : i32
        %dma_start3A_26 = tpu.memref_slice %arg2[%add3A_18, %dma_start3A, %dma_start3A_25] : memref<320x8x128xi32, #tpu.memory_space<hbm>> -> memref<1x8x128xi32, #tpu.memory_space<hbm>>
        %dma_start3A_27 = tpu.memref_squeeze %dma_start3A_26 : memref<1x8x128xi32, #tpu.memory_space<hbm>> -> memref<8x128xi32, #tpu.memory_space<hbm>>
        %dma_start3A_28 = arith.constant 0 : i32
        %dma_start3A_29 = arith.constant 0 : i32
        %dma_start3A_30 = tpu.memref_slice %arg2[%add3A_18, %dma_start3A_28, %dma_start3A_29] : memref<320x8x128xi32, #tpu.memory_space<hbm>> -> memref<1x8x128xi32, #tpu.memory_space<hbm>>
        %dma_start3A_31 = tpu.memref_squeeze %dma_start3A_30 : memref<1x8x128xi32, #tpu.memory_space<hbm>> -> memref<8x128xi32, #tpu.memory_space<hbm>>
        tpu.enqueue_dma source(%dma_start3A_31 : memref<8x128xi32, #tpu.memory_space<hbm>>) target(%arg4 : memref<8x128xi32, #tpu.memory_space<vmem>>) target_semaphore(%run_scoped3A : memref<!tpu.dma_semaphore, #tpu.memory_space<semaphore_mem>>)
        %dma_wait3A = arith.constant 0 : i32
        %dma_wait3A_32 = arith.constant 0 : i32
        %dma_wait3A_33 = tpu.memref_slice %arg2[%add3A_18, %dma_wait3A, %dma_wait3A_32] : memref<320x8x128xi32, #tpu.memory_space<hbm>> -> memref<1x8x128xi32, #tpu.memory_space<hbm>>
        %dma_wait3A_34 = tpu.memref_squeeze %dma_wait3A_33 : memref<1x8x128xi32, #tpu.memory_space<hbm>> -> memref<8x128xi32, #tpu.memory_space<hbm>>
        %dma_wait3A_35 = arith.constant 0 : i32
        %dma_wait3A_36 = arith.constant 0 : i32
        %dma_wait3A_37 = tpu.memref_slice %arg2[%add3A_18, %dma_wait3A_35, %dma_wait3A_36] : memref<320x8x128xi32, #tpu.memory_space<hbm>> -> memref<1x8x128xi32, #tpu.memory_space<hbm>>
        %dma_wait3A_38 = tpu.memref_squeeze %dma_wait3A_37 : memref<1x8x128xi32, #tpu.memory_space<hbm>> -> memref<8x128xi32, #tpu.memory_space<hbm>>
        tpu.wait_dma2 semaphore(%run_scoped3A : memref<!tpu.dma_semaphore, #tpu.memory_space<semaphore_mem>>) src(%dma_wait3A_38 : memref<8x128xi32, #tpu.memory_space<hbm>>) dst(%arg4 : memref<8x128xi32, #tpu.memory_space<vmem>>)
        tpu.yield
      }) : () -> ()
      %scan3A_19 = arith.constant 0 : i32
      %scan3A_20 = arith.constant 0 : i32
      %scan3A_21 = arith.constant 64 : i32
      %scan3A_22 = arith.addi %scan3A_20, %scan3A_21 : i32
      %scan3A_23 = arith.constant 1 : i32
      scf.for %scan3A_25 = %scan3A_20 to %scan3A_22 step %scan3A_23  : i32 {
        %jit3A = arith.constant 8 : i32
        %div3A = arith.divsi %scan3A_25, %jit3A : i32
        %sign3A = arith.constant 0 : i32
        %sign3A_26 = arith.cmpi sgt, %scan3A_25, %sign3A : i32
        %sign3A_27 = arith.extui %sign3A_26 : i1 to i32
        %sign3A_28 = arith.constant 0 : i32
        %sign3A_29 = arith.cmpi slt, %scan3A_25, %sign3A_28 : i32
        %sign3A_30 = arith.extui %sign3A_29 : i1 to i32
        %sign3A_31 = arith.subi %sign3A_27, %sign3A_30 : i32
        %sign3A_32 = arith.constant 0 : i32
        %sign3A_33 = arith.cmpi sgt, %jit3A, %sign3A_32 : i32
        %sign3A_34 = arith.extui %sign3A_33 : i1 to i32
        %sign3A_35 = arith.constant 0 : i32
        %sign3A_36 = arith.cmpi slt, %jit3A, %sign3A_35 : i32
        %sign3A_37 = arith.extui %sign3A_36 : i1 to i32
        %sign3A_38 = arith.subi %sign3A_34, %sign3A_37 : i32
        %ne3A = arith.cmpi ne, %sign3A_31, %sign3A_38 : i32
        %rem3A = arith.remsi %scan3A_25, %jit3A : i32
        %ne3A_39 = arith.constant 0 : i32
        %ne3A_40 = arith.cmpi ne, %rem3A, %ne3A_39 : i32
        %and3A = arith.andi %ne3A, %ne3A_40 : i1
        %sub3A = arith.constant 1 : i32
        %sub3A_41 = arith.subi %div3A, %sub3A : i32
        %select_n3A = arith.select %and3A, %sub3A_41, %div3A : i32
        %jit3A_42 = arith.constant 8 : i32
        %eq3A = arith.constant 0 : i32
        %eq3A_43 = arith.cmpi eq, %jit3A_42, %eq3A : i32
        %jit3A_44 = arith.constant 1 : i32
        %select_n3A_45 = arith.select %eq3A_43, %jit3A_44, %jit3A_42 : i32
        %rem3A_46 = arith.remsi %scan3A_25, %select_n3A_45 : i32
        %ne3A_47 = arith.constant 0 : i32
        %ne3A_48 = arith.cmpi ne, %rem3A_46, %ne3A_47 : i32
        %lt3A = arith.constant 0 : i32
        %lt3A_49 = arith.cmpi slt, %rem3A_46, %lt3A : i32
        %lt3A_50 = arith.constant 0 : i32
        %lt3A_51 = arith.cmpi slt, %select_n3A_45, %lt3A_50 : i32
        %ne3A_52 = arith.xori %lt3A_49, %lt3A_51 : i1
        %and3A_53 = arith.andi %ne3A_52, %ne3A_48 : i1
        %add3A_54 = arith.addi %rem3A_46, %select_n3A_45 : i32
        %select_n3A_55 = arith.select %and3A_53, %add3A_54, %rem3A_46 : i32
        %mul3A_56 = arith.constant 16 : i32
        %mul3A_57 = arith.muli %select_n3A_55, %mul3A_56 : i32
        %get3A = arith.index_cast %select_n3A : i32 to index
        %get3A_58 = arith.index_cast %mul3A_57 : i32 to index
        %get3A_59 = tpu.vector_load %arg4[%get3A, %get3A_58] {strides = array<i32>} : memref<8x128xi32, #tpu.memory_space<vmem>>, vector<16xi32>,
        tpu.vector_store_idx %arg5[%get3A_59], %broadcast_in_dim3A_8 {add = true} : memref<10240xf32, #tpu.memory_space<vmem>>[vector<16xi32>], vector<16xf32>,
      }
      %scan3A_24 = arith.constant 64 : i32
    }
    %scan3A_14 = arith.constant 10 : i32
    "tpu.region"() ({
      %run_scoped3A = tpu.sem_alloc : memref<!tpu.dma_semaphore, #tpu.memory_space<semaphore_mem>>
      %dma_start3A = arith.constant 0 : i32
      %dma_start3A_15 = tpu.memref_slice %arg3[%add3A, %dma_start3A] : memref<32x10240xf32, #tpu.memory_space<hbm>> -> memref<1x10240xf32, #tpu.memory_space<hbm>>
      %dma_start3A_16 = tpu.memref_squeeze %dma_start3A_15 : memref<1x10240xf32, #tpu.memory_space<hbm>> -> memref<10240xf32, #tpu.memory_space<hbm>>
      %dma_start3A_17 = arith.constant 0 : i32
      %dma_start3A_18 = tpu.memref_slice %arg3[%add3A, %dma_start3A_17] : memref<32x10240xf32, #tpu.memory_space<hbm>> -> memref<1x10240xf32, #tpu.memory_space<hbm>>
      %dma_start3A_19 = tpu.memref_squeeze %dma_start3A_18 : memref<1x10240xf32, #tpu.memory_space<hbm>> -> memref<10240xf32, #tpu.memory_space<hbm>>
      tpu.enqueue_dma source(%arg5 : memref<10240xf32, #tpu.memory_space<vmem>>) target(%dma_start3A_19 : memref<10240xf32, #tpu.memory_space<hbm>>) target_semaphore(%run_scoped3A : memref<!tpu.dma_semaphore, #tpu.memory_space<semaphore_mem>>)
      %dma_wait3A = arith.constant 0 : i32
      %dma_wait3A_20 = tpu.memref_slice %arg3[%add3A, %dma_wait3A] : memref<32x10240xf32, #tpu.memory_space<hbm>> -> memref<1x10240xf32, #tpu.memory_space<hbm>>
      %dma_wait3A_21 = tpu.memref_squeeze %dma_wait3A_20 : memref<1x10240xf32, #tpu.memory_space<hbm>> -> memref<10240xf32, #tpu.memory_space<hbm>>
      %dma_wait3A_22 = arith.constant 0 : i32
      %dma_wait3A_23 = tpu.memref_slice %arg3[%add3A, %dma_wait3A_22] : memref<32x10240xf32, #tpu.memory_space<hbm>> -> memref<1x10240xf32, #tpu.memory_space<hbm>>
      %dma_wait3A_24 = tpu.memref_squeeze %dma_wait3A_23 : memref<1x10240xf32, #tpu.memory_space<hbm>> -> memref<10240xf32, #tpu.memory_space<hbm>>
      tpu.wait_dma2 semaphore(%run_scoped3A : memref<!tpu.dma_semaphore, #tpu.memory_space<semaphore_mem>>) src(%arg5 : memref<10240xf32, #tpu.memory_space<vmem>>) dst(%dma_wait3A_24 : memref<10240xf32, #tpu.memory_space<hbm>>)
      tpu.yield
    }) : () -> ()
    return
  }
}

#map = affine_map<(d0, d1) -> (0, 0)>
#map1 = affine_map<(d0, d1) -> (0, 0, 0)>
module attributes {stable_mosaic.version = 14 : i64} {
  func.func @agg(%arg0: i32, %arg1: i32, %arg2: memref<10000x128xf32, #tpu.memory_space<hbm>>, %arg3: memref<320x8x128xi32, #tpu.memory_space<hbm>>, %arg4: memref<320x8x128xi32, #tpu.memory_space<hbm>>, %arg5: memref<20480x128xf32, #tpu.memory_space<hbm>>, %arg6: memref<8x128xi32, #tpu.memory_space<vmem>>, %arg7: memref<8x128xi32, #tpu.memory_space<vmem>>, %arg8: memref<128xi32, #tpu.memory_space<vmem>>, %arg9: memref<128xi32, #tpu.memory_space<vmem>>, %arg10: memref<128xi32, #tpu.memory_space<vmem>>, %arg11: memref<128xi32, #tpu.memory_space<vmem>>, %arg12: memref<128x128xf32, #tpu.memory_space<vmem>>, %arg13: memref<128x128xf32, #tpu.memory_space<vmem>>, %arg14: memref<40x128xf32, #tpu.memory_space<vmem>>, %arg15: memref<10240x128xf32, #tpu.memory_space<vmem_shared>>, %arg16: memref<!tpu.dma_semaphore, #tpu.memory_space<semaphore_mem>>, %arg17: memref<!tpu.dma_semaphore, #tpu.memory_space<semaphore_mem>>, %arg18: memref<!tpu.dma_semaphore, #tpu.memory_space<semaphore_mem>>, %arg19: memref<!tpu.dma_semaphore, #tpu.memory_space<semaphore_mem>>) attributes {dimension_semantics = [#tpu.dimension_semantics<core_parallel>, #tpu.dimension_semantics<subcore_parallel>], iteration_bounds = array<i64: 2, 16>, scalar_prefetch = 0 : i64, scratch_operands = 14 : i64, tpu.core_type = #tpu.core_type<sc_vector_subcore>, window_params = [{transform_indices = #map}, {transform_indices = #map1}, {transform_indices = #map1}, {transform_indices = #map}]} {
    %mul3A = arith.constant 16 : i32
    %mul3A_0 = arith.muli %arg0, %mul3A : i32
    %add3A = arith.addi %mul3A_0, %arg1 : i32
    %broadcast_in_dim3A = arith.constant 0.000000e+00 : f32
    %broadcast_in_dim3A_1 = vector.broadcast %broadcast_in_dim3A : f32 to vector<16xf32>
    %scan3A = arith.constant 0 : i32
    %scan3A_2 = arith.constant 0 : i32
    %scan3A_3 = arith.constant 320 : i32
    %scan3A_4 = arith.addi %scan3A_2, %scan3A_3 : i32
    %scan3A_5 = arith.constant 1 : i32
    scf.for %scan3A_99 = %scan3A_2 to %scan3A_4 step %scan3A_5  : i32 {
      %jit3A = arith.constant 8 : i32
      %div3A = arith.divsi %scan3A_99, %jit3A : i32
      %sign3A = arith.constant 0 : i32
      %sign3A_100 = arith.cmpi sgt, %scan3A_99, %sign3A : i32
      %sign3A_101 = arith.extui %sign3A_100 : i1 to i32
      %sign3A_102 = arith.constant 0 : i32
      %sign3A_103 = arith.cmpi slt, %scan3A_99, %sign3A_102 : i32
      %sign3A_104 = arith.extui %sign3A_103 : i1 to i32
      %sign3A_105 = arith.subi %sign3A_101, %sign3A_104 : i32
      %sign3A_106 = arith.constant 0 : i32
      %sign3A_107 = arith.cmpi sgt, %jit3A, %sign3A_106 : i32
      %sign3A_108 = arith.extui %sign3A_107 : i1 to i32
      %sign3A_109 = arith.constant 0 : i32
      %sign3A_110 = arith.cmpi slt, %jit3A, %sign3A_109 : i32
      %sign3A_111 = arith.extui %sign3A_110 : i1 to i32
      %sign3A_112 = arith.subi %sign3A_108, %sign3A_111 : i32
      %ne3A = arith.cmpi ne, %sign3A_105, %sign3A_112 : i32
      %rem3A = arith.remsi %scan3A_99, %jit3A : i32
      %ne3A_113 = arith.constant 0 : i32
      %ne3A_114 = arith.cmpi ne, %rem3A, %ne3A_113 : i32
      %and3A = arith.andi %ne3A, %ne3A_114 : i1
      %sub3A = arith.constant 1 : i32
      %sub3A_115 = arith.subi %div3A, %sub3A : i32
      %select_n3A = arith.select %and3A, %sub3A_115, %div3A : i32
      %jit3A_116 = arith.constant 8 : i32
      %eq3A = arith.constant 0 : i32
      %eq3A_117 = arith.cmpi eq, %jit3A_116, %eq3A : i32
      %jit3A_118 = arith.constant 1 : i32
      %select_n3A_119 = arith.select %eq3A_117, %jit3A_118, %jit3A_116 : i32
      %rem3A_120 = arith.remsi %scan3A_99, %select_n3A_119 : i32
      %ne3A_121 = arith.constant 0 : i32
      %ne3A_122 = arith.cmpi ne, %rem3A_120, %ne3A_121 : i32
      %lt3A = arith.constant 0 : i32
      %lt3A_123 = arith.cmpi slt, %rem3A_120, %lt3A : i32
      %lt3A_124 = arith.constant 0 : i32
      %lt3A_125 = arith.cmpi slt, %select_n3A_119, %lt3A_124 : i32
      %ne3A_126 = arith.xori %lt3A_123, %lt3A_125 : i1
      %and3A_127 = arith.andi %ne3A_126, %ne3A_122 : i1
      %add3A_128 = arith.addi %rem3A_120, %select_n3A_119 : i32
      %select_n3A_129 = arith.select %and3A_127, %add3A_128, %rem3A_120 : i32
      %mul3A_130 = arith.constant 16 : i32
      %mul3A_131 = arith.muli %select_n3A_129, %mul3A_130 : i32
      %swap3A = arith.index_cast %select_n3A : i32 to index
      %swap3A_132 = arith.index_cast %mul3A_131 : i32 to index
      %swap3A_133 = tpu.vector_load %arg14[%swap3A, %swap3A_132] {strides = array<i32>} : memref<40x128xf32, #tpu.memory_space<vmem>>, vector<16xf32>,
      tpu.vector_store %arg14[%swap3A, %swap3A_132], %broadcast_in_dim3A_1 {strides = array<i32>} : memref<40x128xf32, #tpu.memory_space<vmem>>, vector<16xf32>,
    }
    %scan3A_6 = arith.constant 320 : i32
    %mul3A_7 = arith.constant 640 : i32
    %mul3A_8 = arith.muli %arg1, %mul3A_7 : i32
    %add3A_9 = arith.constant 0 : i32
    %add3A_10 = arith.addi %mul3A_8, %add3A_9 : i32
    "tpu.region"() ({
      %run_scoped3A = tpu.sem_alloc : memref<!tpu.dma_semaphore, #tpu.memory_space<semaphore_mem>>
      %dma_start3A_99 = arith.constant 0 : i32
      %dma_start3A_100 = tpu.memref_slice %arg15[%add3A_10, %dma_start3A_99] : memref<10240x128xf32, #tpu.memory_space<vmem_shared>> -> memref<40x128xf32, #tpu.memory_space<vmem_shared>>
      %dma_start3A_101 = arith.constant 0 : i32
      %dma_start3A_102 = tpu.memref_slice %arg15[%add3A_10, %dma_start3A_101] : memref<10240x128xf32, #tpu.memory_space<vmem_shared>> -> memref<40x128xf32, #tpu.memory_space<vmem_shared>>
      tpu.enqueue_dma source(%arg14 : memref<40x128xf32, #tpu.memory_space<vmem>>) target(%dma_start3A_102 : memref<40x128xf32, #tpu.memory_space<vmem_shared>>) target_semaphore(%run_scoped3A : memref<!tpu.dma_semaphore, #tpu.memory_space<semaphore_mem>>)
      %dma_wait3A_103 = arith.constant 0 : i32
      %dma_wait3A_104 = tpu.memref_slice %arg15[%add3A_10, %dma_wait3A_103] : memref<10240x128xf32, #tpu.memory_space<vmem_shared>> -> memref<40x128xf32, #tpu.memory_space<vmem_shared>>
      %dma_wait3A_105 = arith.constant 0 : i32
      %dma_wait3A_106 = tpu.memref_slice %arg15[%add3A_10, %dma_wait3A_105] : memref<10240x128xf32, #tpu.memory_space<vmem_shared>> -> memref<40x128xf32, #tpu.memory_space<vmem_shared>>
      tpu.wait_dma2 semaphore(%run_scoped3A : memref<!tpu.dma_semaphore, #tpu.memory_space<semaphore_mem>>) src(%arg14 : memref<40x128xf32, #tpu.memory_space<vmem>>) dst(%dma_wait3A_106 : memref<40x128xf32, #tpu.memory_space<vmem_shared>>)
      tpu.yield
    }) : () -> ()
    %mul3A_11 = arith.constant 640 : i32
    %mul3A_12 = arith.muli %arg1, %mul3A_11 : i32
    %add3A_13 = arith.constant 40 : i32
    %add3A_14 = arith.addi %mul3A_12, %add3A_13 : i32
    "tpu.region"() ({
      %run_scoped3A = tpu.sem_alloc : memref<!tpu.dma_semaphore, #tpu.memory_space<semaphore_mem>>
      %dma_start3A_99 = arith.constant 0 : i32
      %dma_start3A_100 = tpu.memref_slice %arg15[%add3A_14, %dma_start3A_99] : memref<10240x128xf32, #tpu.memory_space<vmem_shared>> -> memref<40x128xf32, #tpu.memory_space<vmem_shared>>
      %dma_start3A_101 = arith.constant 0 : i32
      %dma_start3A_102 = tpu.memref_slice %arg15[%add3A_14, %dma_start3A_101] : memref<10240x128xf32, #tpu.memory_space<vmem_shared>> -> memref<40x128xf32, #tpu.memory_space<vmem_shared>>
      tpu.enqueue_dma source(%arg14 : memref<40x128xf32, #tpu.memory_space<vmem>>) target(%dma_start3A_102 : memref<40x128xf32, #tpu.memory_space<vmem_shared>>) target_semaphore(%run_scoped3A : memref<!tpu.dma_semaphore, #tpu.memory_space<semaphore_mem>>)
      %dma_wait3A_103 = arith.constant 0 : i32
      %dma_wait3A_104 = tpu.memref_slice %arg15[%add3A_14, %dma_wait3A_103] : memref<10240x128xf32, #tpu.memory_space<vmem_shared>> -> memref<40x128xf32, #tpu.memory_space<vmem_shared>>
      %dma_wait3A_105 = arith.constant 0 : i32
      %dma_wait3A_106 = tpu.memref_slice %arg15[%add3A_14, %dma_wait3A_105] : memref<10240x128xf32, #tpu.memory_space<vmem_shared>> -> memref<40x128xf32, #tpu.memory_space<vmem_shared>>
      tpu.wait_dma2 semaphore(%run_scoped3A : memref<!tpu.dma_semaphore, #tpu.memory_space<semaphore_mem>>) src(%arg14 : memref<40x128xf32, #tpu.memory_space<vmem>>) dst(%dma_wait3A_106 : memref<40x128xf32, #tpu.memory_space<vmem_shared>>)
      tpu.yield
    }) : () -> ()
    %mul3A_15 = arith.constant 640 : i32
    %mul3A_16 = arith.muli %arg1, %mul3A_15 : i32
    %add3A_17 = arith.constant 80 : i32
    %add3A_18 = arith.addi %mul3A_16, %add3A_17 : i32
    "tpu.region"() ({
      %run_scoped3A = tpu.sem_alloc : memref<!tpu.dma_semaphore, #tpu.memory_space<semaphore_mem>>
      %dma_start3A_99 = arith.constant 0 : i32
      %dma_start3A_100 = tpu.memref_slice %arg15[%add3A_18, %dma_start3A_99] : memref<10240x128xf32, #tpu.memory_space<vmem_shared>> -> memref<40x128xf32, #tpu.memory_space<vmem_shared>>
      %dma_start3A_101 = arith.constant 0 : i32
      %dma_start3A_102 = tpu.memref_slice %arg15[%add3A_18, %dma_start3A_101] : memref<10240x128xf32, #tpu.memory_space<vmem_shared>> -> memref<40x128xf32, #tpu.memory_space<vmem_shared>>
      tpu.enqueue_dma source(%arg14 : memref<40x128xf32, #tpu.memory_space<vmem>>) target(%dma_start3A_102 : memref<40x128xf32, #tpu.memory_space<vmem_shared>>) target_semaphore(%run_scoped3A : memref<!tpu.dma_semaphore, #tpu.memory_space<semaphore_mem>>)
      %dma_wait3A_103 = arith.constant 0 : i32
      %dma_wait3A_104 = tpu.memref_slice %arg15[%add3A_18, %dma_wait3A_103] : memref<10240x128xf32, #tpu.memory_space<vmem_shared>> -> memref<40x128xf32, #tpu.memory_space<vmem_shared>>
      %dma_wait3A_105 = arith.constant 0 : i32
      %dma_wait3A_106 = tpu.memref_slice %arg15[%add3A_18, %dma_wait3A_105] : memref<10240x128xf32, #tpu.memory_space<vmem_shared>> -> memref<40x128xf32, #tpu.memory_space<vmem_shared>>
      tpu.wait_dma2 semaphore(%run_scoped3A : memref<!tpu.dma_semaphore, #tpu.memory_space<semaphore_mem>>) src(%arg14 : memref<40x128xf32, #tpu.memory_space<vmem>>) dst(%dma_wait3A_106 : memref<40x128xf32, #tpu.memory_space<vmem_shared>>)
      tpu.yield
    }) : () -> ()
    %mul3A_19 = arith.constant 640 : i32
    %mul3A_20 = arith.muli %arg1, %mul3A_19 : i32
    %add3A_21 = arith.constant 120 : i32
    %add3A_22 = arith.addi %mul3A_20, %add3A_21 : i32
    "tpu.region"() ({
      %run_scoped3A = tpu.sem_alloc : memref<!tpu.dma_semaphore, #tpu.memory_space<semaphore_mem>>
      %dma_start3A_99 = arith.constant 0 : i32
      %dma_start3A_100 = tpu.memref_slice %arg15[%add3A_22, %dma_start3A_99] : memref<10240x128xf32, #tpu.memory_space<vmem_shared>> -> memref<40x128xf32, #tpu.memory_space<vmem_shared>>
      %dma_start3A_101 = arith.constant 0 : i32
      %dma_start3A_102 = tpu.memref_slice %arg15[%add3A_22, %dma_start3A_101] : memref<10240x128xf32, #tpu.memory_space<vmem_shared>> -> memref<40x128xf32, #tpu.memory_space<vmem_shared>>
      tpu.enqueue_dma source(%arg14 : memref<40x128xf32, #tpu.memory_space<vmem>>) target(%dma_start3A_102 : memref<40x128xf32, #tpu.memory_space<vmem_shared>>) target_semaphore(%run_scoped3A : memref<!tpu.dma_semaphore, #tpu.memory_space<semaphore_mem>>)
      %dma_wait3A_103 = arith.constant 0 : i32
      %dma_wait3A_104 = tpu.memref_slice %arg15[%add3A_22, %dma_wait3A_103] : memref<10240x128xf32, #tpu.memory_space<vmem_shared>> -> memref<40x128xf32, #tpu.memory_space<vmem_shared>>
      %dma_wait3A_105 = arith.constant 0 : i32
      %dma_wait3A_106 = tpu.memref_slice %arg15[%add3A_22, %dma_wait3A_105] : memref<10240x128xf32, #tpu.memory_space<vmem_shared>> -> memref<40x128xf32, #tpu.memory_space<vmem_shared>>
      tpu.wait_dma2 semaphore(%run_scoped3A : memref<!tpu.dma_semaphore, #tpu.memory_space<semaphore_mem>>) src(%arg14 : memref<40x128xf32, #tpu.memory_space<vmem>>) dst(%dma_wait3A_106 : memref<40x128xf32, #tpu.memory_space<vmem_shared>>)
      tpu.yield
    }) : () -> ()
    %mul3A_23 = arith.constant 640 : i32
    %mul3A_24 = arith.muli %arg1, %mul3A_23 : i32
    %add3A_25 = arith.constant 160 : i32
    %add3A_26 = arith.addi %mul3A_24, %add3A_25 : i32
    "tpu.region"() ({
      %run_scoped3A = tpu.sem_alloc : memref<!tpu.dma_semaphore, #tpu.memory_space<semaphore_mem>>
      %dma_start3A_99 = arith.constant 0 : i32
      %dma_start3A_100 = tpu.memref_slice %arg15[%add3A_26, %dma_start3A_99] : memref<10240x128xf32, #tpu.memory_space<vmem_shared>> -> memref<40x128xf32, #tpu.memory_space<vmem_shared>>
      %dma_start3A_101 = arith.constant 0 : i32
      %dma_start3A_102 = tpu.memref_slice %arg15[%add3A_26, %dma_start3A_101] : memref<10240x128xf32, #tpu.memory_space<vmem_shared>> -> memref<40x128xf32, #tpu.memory_space<vmem_shared>>
      tpu.enqueue_dma source(%arg14 : memref<40x128xf32, #tpu.memory_space<vmem>>) target(%dma_start3A_102 : memref<40x128xf32, #tpu.memory_space<vmem_shared>>) target_semaphore(%run_scoped3A : memref<!tpu.dma_semaphore, #tpu.memory_space<semaphore_mem>>)
      %dma_wait3A_103 = arith.constant 0 : i32
      %dma_wait3A_104 = tpu.memref_slice %arg15[%add3A_26, %dma_wait3A_103] : memref<10240x128xf32, #tpu.memory_space<vmem_shared>> -> memref<40x128xf32, #tpu.memory_space<vmem_shared>>
      %dma_wait3A_105 = arith.constant 0 : i32
      %dma_wait3A_106 = tpu.memref_slice %arg15[%add3A_26, %dma_wait3A_105] : memref<10240x128xf32, #tpu.memory_space<vmem_shared>> -> memref<40x128xf32, #tpu.memory_space<vmem_shared>>
      tpu.wait_dma2 semaphore(%run_scoped3A : memref<!tpu.dma_semaphore, #tpu.memory_space<semaphore_mem>>) src(%arg14 : memref<40x128xf32, #tpu.memory_space<vmem>>) dst(%dma_wait3A_106 : memref<40x128xf32, #tpu.memory_space<vmem_shared>>)
      tpu.yield
    }) : () -> ()
    %mul3A_27 = arith.constant 640 : i32
    %mul3A_28 = arith.muli %arg1, %mul3A_27 : i32
    %add3A_29 = arith.constant 200 : i32
    %add3A_30 = arith.addi %mul3A_28, %add3A_29 : i32
    "tpu.region"() ({
      %run_scoped3A = tpu.sem_alloc : memref<!tpu.dma_semaphore, #tpu.memory_space<semaphore_mem>>
      %dma_start3A_99 = arith.constant 0 : i32
      %dma_start3A_100 = tpu.memref_slice %arg15[%add3A_30, %dma_start3A_99] : memref<10240x128xf32, #tpu.memory_space<vmem_shared>> -> memref<40x128xf32, #tpu.memory_space<vmem_shared>>
      %dma_start3A_101 = arith.constant 0 : i32
      %dma_start3A_102 = tpu.memref_slice %arg15[%add3A_30, %dma_start3A_101] : memref<10240x128xf32, #tpu.memory_space<vmem_shared>> -> memref<40x128xf32, #tpu.memory_space<vmem_shared>>
      tpu.enqueue_dma source(%arg14 : memref<40x128xf32, #tpu.memory_space<vmem>>) target(%dma_start3A_102 : memref<40x128xf32, #tpu.memory_space<vmem_shared>>) target_semaphore(%run_scoped3A : memref<!tpu.dma_semaphore, #tpu.memory_space<semaphore_mem>>)
      %dma_wait3A_103 = arith.constant 0 : i32
      %dma_wait3A_104 = tpu.memref_slice %arg15[%add3A_30, %dma_wait3A_103] : memref<10240x128xf32, #tpu.memory_space<vmem_shared>> -> memref<40x128xf32, #tpu.memory_space<vmem_shared>>
      %dma_wait3A_105 = arith.constant 0 : i32
      %dma_wait3A_106 = tpu.memref_slice %arg15[%add3A_30, %dma_wait3A_105] : memref<10240x128xf32, #tpu.memory_space<vmem_shared>> -> memref<40x128xf32, #tpu.memory_space<vmem_shared>>
      tpu.wait_dma2 semaphore(%run_scoped3A : memref<!tpu.dma_semaphore, #tpu.memory_space<semaphore_mem>>) src(%arg14 : memref<40x128xf32, #tpu.memory_space<vmem>>) dst(%dma_wait3A_106 : memref<40x128xf32, #tpu.memory_space<vmem_shared>>)
      tpu.yield
    }) : () -> ()
    %mul3A_31 = arith.constant 640 : i32
    %mul3A_32 = arith.muli %arg1, %mul3A_31 : i32
    %add3A_33 = arith.constant 240 : i32
    %add3A_34 = arith.addi %mul3A_32, %add3A_33 : i32
    "tpu.region"() ({
      %run_scoped3A = tpu.sem_alloc : memref<!tpu.dma_semaphore, #tpu.memory_space<semaphore_mem>>
      %dma_start3A_99 = arith.constant 0 : i32
      %dma_start3A_100 = tpu.memref_slice %arg15[%add3A_34, %dma_start3A_99] : memref<10240x128xf32, #tpu.memory_space<vmem_shared>> -> memref<40x128xf32, #tpu.memory_space<vmem_shared>>
      %dma_start3A_101 = arith.constant 0 : i32
      %dma_start3A_102 = tpu.memref_slice %arg15[%add3A_34, %dma_start3A_101] : memref<10240x128xf32, #tpu.memory_space<vmem_shared>> -> memref<40x128xf32, #tpu.memory_space<vmem_shared>>
      tpu.enqueue_dma source(%arg14 : memref<40x128xf32, #tpu.memory_space<vmem>>) target(%dma_start3A_102 : memref<40x128xf32, #tpu.memory_space<vmem_shared>>) target_semaphore(%run_scoped3A : memref<!tpu.dma_semaphore, #tpu.memory_space<semaphore_mem>>)
      %dma_wait3A_103 = arith.constant 0 : i32
      %dma_wait3A_104 = tpu.memref_slice %arg15[%add3A_34, %dma_wait3A_103] : memref<10240x128xf32, #tpu.memory_space<vmem_shared>> -> memref<40x128xf32, #tpu.memory_space<vmem_shared>>
      %dma_wait3A_105 = arith.constant 0 : i32
      %dma_wait3A_106 = tpu.memref_slice %arg15[%add3A_34, %dma_wait3A_105] : memref<10240x128xf32, #tpu.memory_space<vmem_shared>> -> memref<40x128xf32, #tpu.memory_space<vmem_shared>>
      tpu.wait_dma2 semaphore(%run_scoped3A : memref<!tpu.dma_semaphore, #tpu.memory_space<semaphore_mem>>) src(%arg14 : memref<40x128xf32, #tpu.memory_space<vmem>>) dst(%dma_wait3A_106 : memref<40x128xf32, #tpu.memory_space<vmem_shared>>)
      tpu.yield
    }) : () -> ()
    %mul3A_35 = arith.constant 640 : i32
    %mul3A_36 = arith.muli %arg1, %mul3A_35 : i32
    %add3A_37 = arith.constant 280 : i32
    %add3A_38 = arith.addi %mul3A_36, %add3A_37 : i32
    "tpu.region"() ({
      %run_scoped3A = tpu.sem_alloc : memref<!tpu.dma_semaphore, #tpu.memory_space<semaphore_mem>>
      %dma_start3A_99 = arith.constant 0 : i32
      %dma_start3A_100 = tpu.memref_slice %arg15[%add3A_38, %dma_start3A_99] : memref<10240x128xf32, #tpu.memory_space<vmem_shared>> -> memref<40x128xf32, #tpu.memory_space<vmem_shared>>
      %dma_start3A_101 = arith.constant 0 : i32
      %dma_start3A_102 = tpu.memref_slice %arg15[%add3A_38, %dma_start3A_101] : memref<10240x128xf32, #tpu.memory_space<vmem_shared>> -> memref<40x128xf32, #tpu.memory_space<vmem_shared>>
      tpu.enqueue_dma source(%arg14 : memref<40x128xf32, #tpu.memory_space<vmem>>) target(%dma_start3A_102 : memref<40x128xf32, #tpu.memory_space<vmem_shared>>) target_semaphore(%run_scoped3A : memref<!tpu.dma_semaphore, #tpu.memory_space<semaphore_mem>>)
      %dma_wait3A_103 = arith.constant 0 : i32
      %dma_wait3A_104 = tpu.memref_slice %arg15[%add3A_38, %dma_wait3A_103] : memref<10240x128xf32, #tpu.memory_space<vmem_shared>> -> memref<40x128xf32, #tpu.memory_space<vmem_shared>>
      %dma_wait3A_105 = arith.constant 0 : i32
      %dma_wait3A_106 = tpu.memref_slice %arg15[%add3A_38, %dma_wait3A_105] : memref<10240x128xf32, #tpu.memory_space<vmem_shared>> -> memref<40x128xf32, #tpu.memory_space<vmem_shared>>
      tpu.wait_dma2 semaphore(%run_scoped3A : memref<!tpu.dma_semaphore, #tpu.memory_space<semaphore_mem>>) src(%arg14 : memref<40x128xf32, #tpu.memory_space<vmem>>) dst(%dma_wait3A_106 : memref<40x128xf32, #tpu.memory_space<vmem_shared>>)
      tpu.yield
    }) : () -> ()
    %mul3A_39 = arith.constant 640 : i32
    %mul3A_40 = arith.muli %arg1, %mul3A_39 : i32
    %add3A_41 = arith.constant 320 : i32
    %add3A_42 = arith.addi %mul3A_40, %add3A_41 : i32
    "tpu.region"() ({
      %run_scoped3A = tpu.sem_alloc : memref<!tpu.dma_semaphore, #tpu.memory_space<semaphore_mem>>
      %dma_start3A_99 = arith.constant 0 : i32
      %dma_start3A_100 = tpu.memref_slice %arg15[%add3A_42, %dma_start3A_99] : memref<10240x128xf32, #tpu.memory_space<vmem_shared>> -> memref<40x128xf32, #tpu.memory_space<vmem_shared>>
      %dma_start3A_101 = arith.constant 0 : i32
      %dma_start3A_102 = tpu.memref_slice %arg15[%add3A_42, %dma_start3A_101] : memref<10240x128xf32, #tpu.memory_space<vmem_shared>> -> memref<40x128xf32, #tpu.memory_space<vmem_shared>>
      tpu.enqueue_dma source(%arg14 : memref<40x128xf32, #tpu.memory_space<vmem>>) target(%dma_start3A_102 : memref<40x128xf32, #tpu.memory_space<vmem_shared>>) target_semaphore(%run_scoped3A : memref<!tpu.dma_semaphore, #tpu.memory_space<semaphore_mem>>)
      %dma_wait3A_103 = arith.constant 0 : i32
      %dma_wait3A_104 = tpu.memref_slice %arg15[%add3A_42, %dma_wait3A_103] : memref<10240x128xf32, #tpu.memory_space<vmem_shared>> -> memref<40x128xf32, #tpu.memory_space<vmem_shared>>
      %dma_wait3A_105 = arith.constant 0 : i32
      %dma_wait3A_106 = tpu.memref_slice %arg15[%add3A_42, %dma_wait3A_105] : memref<10240x128xf32, #tpu.memory_space<vmem_shared>> -> memref<40x128xf32, #tpu.memory_space<vmem_shared>>
      tpu.wait_dma2 semaphore(%run_scoped3A : memref<!tpu.dma_semaphore, #tpu.memory_space<semaphore_mem>>) src(%arg14 : memref<40x128xf32, #tpu.memory_space<vmem>>) dst(%dma_wait3A_106 : memref<40x128xf32, #tpu.memory_space<vmem_shared>>)
      tpu.yield
    }) : () -> ()
    %mul3A_43 = arith.constant 640 : i32
    %mul3A_44 = arith.muli %arg1, %mul3A_43 : i32
    %add3A_45 = arith.constant 360 : i32
    %add3A_46 = arith.addi %mul3A_44, %add3A_45 : i32
    "tpu.region"() ({
      %run_scoped3A = tpu.sem_alloc : memref<!tpu.dma_semaphore, #tpu.memory_space<semaphore_mem>>
      %dma_start3A_99 = arith.constant 0 : i32
      %dma_start3A_100 = tpu.memref_slice %arg15[%add3A_46, %dma_start3A_99] : memref<10240x128xf32, #tpu.memory_space<vmem_shared>> -> memref<40x128xf32, #tpu.memory_space<vmem_shared>>
      %dma_start3A_101 = arith.constant 0 : i32
      %dma_start3A_102 = tpu.memref_slice %arg15[%add3A_46, %dma_start3A_101] : memref<10240x128xf32, #tpu.memory_space<vmem_shared>> -> memref<40x128xf32, #tpu.memory_space<vmem_shared>>
      tpu.enqueue_dma source(%arg14 : memref<40x128xf32, #tpu.memory_space<vmem>>) target(%dma_start3A_102 : memref<40x128xf32, #tpu.memory_space<vmem_shared>>) target_semaphore(%run_scoped3A : memref<!tpu.dma_semaphore, #tpu.memory_space<semaphore_mem>>)
      %dma_wait3A_103 = arith.constant 0 : i32
      %dma_wait3A_104 = tpu.memref_slice %arg15[%add3A_46, %dma_wait3A_103] : memref<10240x128xf32, #tpu.memory_space<vmem_shared>> -> memref<40x128xf32, #tpu.memory_space<vmem_shared>>
      %dma_wait3A_105 = arith.constant 0 : i32
      %dma_wait3A_106 = tpu.memref_slice %arg15[%add3A_46, %dma_wait3A_105] : memref<10240x128xf32, #tpu.memory_space<vmem_shared>> -> memref<40x128xf32, #tpu.memory_space<vmem_shared>>
      tpu.wait_dma2 semaphore(%run_scoped3A : memref<!tpu.dma_semaphore, #tpu.memory_space<semaphore_mem>>) src(%arg14 : memref<40x128xf32, #tpu.memory_space<vmem>>) dst(%dma_wait3A_106 : memref<40x128xf32, #tpu.memory_space<vmem_shared>>)
      tpu.yield
    }) : () -> ()
    %mul3A_47 = arith.constant 640 : i32
    %mul3A_48 = arith.muli %arg1, %mul3A_47 : i32
    %add3A_49 = arith.constant 400 : i32
    %add3A_50 = arith.addi %mul3A_48, %add3A_49 : i32
    "tpu.region"() ({
      %run_scoped3A = tpu.sem_alloc : memref<!tpu.dma_semaphore, #tpu.memory_space<semaphore_mem>>
      %dma_start3A_99 = arith.constant 0 : i32
      %dma_start3A_100 = tpu.memref_slice %arg15[%add3A_50, %dma_start3A_99] : memref<10240x128xf32, #tpu.memory_space<vmem_shared>> -> memref<40x128xf32, #tpu.memory_space<vmem_shared>>
      %dma_start3A_101 = arith.constant 0 : i32
      %dma_start3A_102 = tpu.memref_slice %arg15[%add3A_50, %dma_start3A_101] : memref<10240x128xf32, #tpu.memory_space<vmem_shared>> -> memref<40x128xf32, #tpu.memory_space<vmem_shared>>
      tpu.enqueue_dma source(%arg14 : memref<40x128xf32, #tpu.memory_space<vmem>>) target(%dma_start3A_102 : memref<40x128xf32, #tpu.memory_space<vmem_shared>>) target_semaphore(%run_scoped3A : memref<!tpu.dma_semaphore, #tpu.memory_space<semaphore_mem>>)
      %dma_wait3A_103 = arith.constant 0 : i32
      %dma_wait3A_104 = tpu.memref_slice %arg15[%add3A_50, %dma_wait3A_103] : memref<10240x128xf32, #tpu.memory_space<vmem_shared>> -> memref<40x128xf32, #tpu.memory_space<vmem_shared>>
      %dma_wait3A_105 = arith.constant 0 : i32
      %dma_wait3A_106 = tpu.memref_slice %arg15[%add3A_50, %dma_wait3A_105] : memref<10240x128xf32, #tpu.memory_space<vmem_shared>> -> memref<40x128xf32, #tpu.memory_space<vmem_shared>>
      tpu.wait_dma2 semaphore(%run_scoped3A : memref<!tpu.dma_semaphore, #tpu.memory_space<semaphore_mem>>) src(%arg14 : memref<40x128xf32, #tpu.memory_space<vmem>>) dst(%dma_wait3A_106 : memref<40x128xf32, #tpu.memory_space<vmem_shared>>)
      tpu.yield
    }) : () -> ()
    %mul3A_51 = arith.constant 640 : i32
    %mul3A_52 = arith.muli %arg1, %mul3A_51 : i32
    %add3A_53 = arith.constant 440 : i32
    %add3A_54 = arith.addi %mul3A_52, %add3A_53 : i32
    "tpu.region"() ({
      %run_scoped3A = tpu.sem_alloc : memref<!tpu.dma_semaphore, #tpu.memory_space<semaphore_mem>>
      %dma_start3A_99 = arith.constant 0 : i32
      %dma_start3A_100 = tpu.memref_slice %arg15[%add3A_54, %dma_start3A_99] : memref<10240x128xf32, #tpu.memory_space<vmem_shared>> -> memref<40x128xf32, #tpu.memory_space<vmem_shared>>
      %dma_start3A_101 = arith.constant 0 : i32
      %dma_start3A_102 = tpu.memref_slice %arg15[%add3A_54, %dma_start3A_101] : memref<10240x128xf32, #tpu.memory_space<vmem_shared>> -> memref<40x128xf32, #tpu.memory_space<vmem_shared>>
      tpu.enqueue_dma source(%arg14 : memref<40x128xf32, #tpu.memory_space<vmem>>) target(%dma_start3A_102 : memref<40x128xf32, #tpu.memory_space<vmem_shared>>) target_semaphore(%run_scoped3A : memref<!tpu.dma_semaphore, #tpu.memory_space<semaphore_mem>>)
      %dma_wait3A_103 = arith.constant 0 : i32
      %dma_wait3A_104 = tpu.memref_slice %arg15[%add3A_54, %dma_wait3A_103] : memref<10240x128xf32, #tpu.memory_space<vmem_shared>> -> memref<40x128xf32, #tpu.memory_space<vmem_shared>>
      %dma_wait3A_105 = arith.constant 0 : i32
      %dma_wait3A_106 = tpu.memref_slice %arg15[%add3A_54, %dma_wait3A_105] : memref<10240x128xf32, #tpu.memory_space<vmem_shared>> -> memref<40x128xf32, #tpu.memory_space<vmem_shared>>
      tpu.wait_dma2 semaphore(%run_scoped3A : memref<!tpu.dma_semaphore, #tpu.memory_space<semaphore_mem>>) src(%arg14 : memref<40x128xf32, #tpu.memory_space<vmem>>) dst(%dma_wait3A_106 : memref<40x128xf32, #tpu.memory_space<vmem_shared>>)
      tpu.yield
    }) : () -> ()
    %mul3A_55 = arith.constant 640 : i32
    %mul3A_56 = arith.muli %arg1, %mul3A_55 : i32
    %add3A_57 = arith.constant 480 : i32
    %add3A_58 = arith.addi %mul3A_56, %add3A_57 : i32
    "tpu.region"() ({
      %run_scoped3A = tpu.sem_alloc : memref<!tpu.dma_semaphore, #tpu.memory_space<semaphore_mem>>
      %dma_start3A_99 = arith.constant 0 : i32
      %dma_start3A_100 = tpu.memref_slice %arg15[%add3A_58, %dma_start3A_99] : memref<10240x128xf32, #tpu.memory_space<vmem_shared>> -> memref<40x128xf32, #tpu.memory_space<vmem_shared>>
      %dma_start3A_101 = arith.constant 0 : i32
      %dma_start3A_102 = tpu.memref_slice %arg15[%add3A_58, %dma_start3A_101] : memref<10240x128xf32, #tpu.memory_space<vmem_shared>> -> memref<40x128xf32, #tpu.memory_space<vmem_shared>>
      tpu.enqueue_dma source(%arg14 : memref<40x128xf32, #tpu.memory_space<vmem>>) target(%dma_start3A_102 : memref<40x128xf32, #tpu.memory_space<vmem_shared>>) target_semaphore(%run_scoped3A : memref<!tpu.dma_semaphore, #tpu.memory_space<semaphore_mem>>)
      %dma_wait3A_103 = arith.constant 0 : i32
      %dma_wait3A_104 = tpu.memref_slice %arg15[%add3A_58, %dma_wait3A_103] : memref<10240x128xf32, #tpu.memory_space<vmem_shared>> -> memref<40x128xf32, #tpu.memory_space<vmem_shared>>
      %dma_wait3A_105 = arith.constant 0 : i32
      %dma_wait3A_106 = tpu.memref_slice %arg15[%add3A_58, %dma_wait3A_105] : memref<10240x128xf32, #tpu.memory_space<vmem_shared>> -> memref<40x128xf32, #tpu.memory_space<vmem_shared>>
      tpu.wait_dma2 semaphore(%run_scoped3A : memref<!tpu.dma_semaphore, #tpu.memory_space<semaphore_mem>>) src(%arg14 : memref<40x128xf32, #tpu.memory_space<vmem>>) dst(%dma_wait3A_106 : memref<40x128xf32, #tpu.memory_space<vmem_shared>>)
      tpu.yield
    }) : () -> ()
    %mul3A_59 = arith.constant 640 : i32
    %mul3A_60 = arith.muli %arg1, %mul3A_59 : i32
    %add3A_61 = arith.constant 520 : i32
    %add3A_62 = arith.addi %mul3A_60, %add3A_61 : i32
    "tpu.region"() ({
      %run_scoped3A = tpu.sem_alloc : memref<!tpu.dma_semaphore, #tpu.memory_space<semaphore_mem>>
      %dma_start3A_99 = arith.constant 0 : i32
      %dma_start3A_100 = tpu.memref_slice %arg15[%add3A_62, %dma_start3A_99] : memref<10240x128xf32, #tpu.memory_space<vmem_shared>> -> memref<40x128xf32, #tpu.memory_space<vmem_shared>>
      %dma_start3A_101 = arith.constant 0 : i32
      %dma_start3A_102 = tpu.memref_slice %arg15[%add3A_62, %dma_start3A_101] : memref<10240x128xf32, #tpu.memory_space<vmem_shared>> -> memref<40x128xf32, #tpu.memory_space<vmem_shared>>
      tpu.enqueue_dma source(%arg14 : memref<40x128xf32, #tpu.memory_space<vmem>>) target(%dma_start3A_102 : memref<40x128xf32, #tpu.memory_space<vmem_shared>>) target_semaphore(%run_scoped3A : memref<!tpu.dma_semaphore, #tpu.memory_space<semaphore_mem>>)
      %dma_wait3A_103 = arith.constant 0 : i32
      %dma_wait3A_104 = tpu.memref_slice %arg15[%add3A_62, %dma_wait3A_103] : memref<10240x128xf32, #tpu.memory_space<vmem_shared>> -> memref<40x128xf32, #tpu.memory_space<vmem_shared>>
      %dma_wait3A_105 = arith.constant 0 : i32
      %dma_wait3A_106 = tpu.memref_slice %arg15[%add3A_62, %dma_wait3A_105] : memref<10240x128xf32, #tpu.memory_space<vmem_shared>> -> memref<40x128xf32, #tpu.memory_space<vmem_shared>>
      tpu.wait_dma2 semaphore(%run_scoped3A : memref<!tpu.dma_semaphore, #tpu.memory_space<semaphore_mem>>) src(%arg14 : memref<40x128xf32, #tpu.memory_space<vmem>>) dst(%dma_wait3A_106 : memref<40x128xf32, #tpu.memory_space<vmem_shared>>)
      tpu.yield
    }) : () -> ()
    %mul3A_63 = arith.constant 640 : i32
    %mul3A_64 = arith.muli %arg1, %mul3A_63 : i32
    %add3A_65 = arith.constant 560 : i32
    %add3A_66 = arith.addi %mul3A_64, %add3A_65 : i32
    "tpu.region"() ({
      %run_scoped3A = tpu.sem_alloc : memref<!tpu.dma_semaphore, #tpu.memory_space<semaphore_mem>>
      %dma_start3A_99 = arith.constant 0 : i32
      %dma_start3A_100 = tpu.memref_slice %arg15[%add3A_66, %dma_start3A_99] : memref<10240x128xf32, #tpu.memory_space<vmem_shared>> -> memref<40x128xf32, #tpu.memory_space<vmem_shared>>
      %dma_start3A_101 = arith.constant 0 : i32
      %dma_start3A_102 = tpu.memref_slice %arg15[%add3A_66, %dma_start3A_101] : memref<10240x128xf32, #tpu.memory_space<vmem_shared>> -> memref<40x128xf32, #tpu.memory_space<vmem_shared>>
      tpu.enqueue_dma source(%arg14 : memref<40x128xf32, #tpu.memory_space<vmem>>) target(%dma_start3A_102 : memref<40x128xf32, #tpu.memory_space<vmem_shared>>) target_semaphore(%run_scoped3A : memref<!tpu.dma_semaphore, #tpu.memory_space<semaphore_mem>>)
      %dma_wait3A_103 = arith.constant 0 : i32
      %dma_wait3A_104 = tpu.memref_slice %arg15[%add3A_66, %dma_wait3A_103] : memref<10240x128xf32, #tpu.memory_space<vmem_shared>> -> memref<40x128xf32, #tpu.memory_space<vmem_shared>>
      %dma_wait3A_105 = arith.constant 0 : i32
      %dma_wait3A_106 = tpu.memref_slice %arg15[%add3A_66, %dma_wait3A_105] : memref<10240x128xf32, #tpu.memory_space<vmem_shared>> -> memref<40x128xf32, #tpu.memory_space<vmem_shared>>
      tpu.wait_dma2 semaphore(%run_scoped3A : memref<!tpu.dma_semaphore, #tpu.memory_space<semaphore_mem>>) src(%arg14 : memref<40x128xf32, #tpu.memory_space<vmem>>) dst(%dma_wait3A_106 : memref<40x128xf32, #tpu.memory_space<vmem_shared>>)
      tpu.yield
    }) : () -> ()
    %mul3A_67 = arith.constant 640 : i32
    %mul3A_68 = arith.muli %arg1, %mul3A_67 : i32
    %add3A_69 = arith.constant 600 : i32
    %add3A_70 = arith.addi %mul3A_68, %add3A_69 : i32
    "tpu.region"() ({
      %run_scoped3A = tpu.sem_alloc : memref<!tpu.dma_semaphore, #tpu.memory_space<semaphore_mem>>
      %dma_start3A_99 = arith.constant 0 : i32
      %dma_start3A_100 = tpu.memref_slice %arg15[%add3A_70, %dma_start3A_99] : memref<10240x128xf32, #tpu.memory_space<vmem_shared>> -> memref<40x128xf32, #tpu.memory_space<vmem_shared>>
      %dma_start3A_101 = arith.constant 0 : i32
      %dma_start3A_102 = tpu.memref_slice %arg15[%add3A_70, %dma_start3A_101] : memref<10240x128xf32, #tpu.memory_space<vmem_shared>> -> memref<40x128xf32, #tpu.memory_space<vmem_shared>>
      tpu.enqueue_dma source(%arg14 : memref<40x128xf32, #tpu.memory_space<vmem>>) target(%dma_start3A_102 : memref<40x128xf32, #tpu.memory_space<vmem_shared>>) target_semaphore(%run_scoped3A : memref<!tpu.dma_semaphore, #tpu.memory_space<semaphore_mem>>)
      %dma_wait3A_103 = arith.constant 0 : i32
      %dma_wait3A_104 = tpu.memref_slice %arg15[%add3A_70, %dma_wait3A_103] : memref<10240x128xf32, #tpu.memory_space<vmem_shared>> -> memref<40x128xf32, #tpu.memory_space<vmem_shared>>
      %dma_wait3A_105 = arith.constant 0 : i32
      %dma_wait3A_106 = tpu.memref_slice %arg15[%add3A_70, %dma_wait3A_105] : memref<10240x128xf32, #tpu.memory_space<vmem_shared>> -> memref<40x128xf32, #tpu.memory_space<vmem_shared>>
      tpu.wait_dma2 semaphore(%run_scoped3A : memref<!tpu.dma_semaphore, #tpu.memory_space<semaphore_mem>>) src(%arg14 : memref<40x128xf32, #tpu.memory_space<vmem>>) dst(%dma_wait3A_106 : memref<40x128xf32, #tpu.memory_space<vmem_shared>>)
      tpu.yield
    }) : () -> ()
    %barrier3A = arith.constant 0 : index
    tpu.barrier barrier_id(%barrier3A)
    %mul3A_71 = arith.constant 10 : i32
    %mul3A_72 = arith.muli %add3A, %mul3A_71 : i32
    %add3A_73 = arith.constant 0 : i32
    %add3A_74 = arith.addi %mul3A_72, %add3A_73 : i32
    "tpu.region"() ({
      %run_scoped3A = tpu.sem_alloc : memref<!tpu.dma_semaphore, #tpu.memory_space<semaphore_mem>>
      %dma_start3A_99 = arith.constant 0 : i32
      %dma_start3A_100 = arith.constant 0 : i32
      %dma_start3A_101 = tpu.memref_slice %arg3[%add3A_74, %dma_start3A_99, %dma_start3A_100] : memref<320x8x128xi32, #tpu.memory_space<hbm>> -> memref<1x8x128xi32, #tpu.memory_space<hbm>>
      %dma_start3A_102 = tpu.memref_squeeze %dma_start3A_101 : memref<1x8x128xi32, #tpu.memory_space<hbm>> -> memref<8x128xi32, #tpu.memory_space<hbm>>
      %dma_start3A_103 = arith.constant 0 : i32
      %dma_start3A_104 = arith.constant 0 : i32
      %dma_start3A_105 = tpu.memref_slice %arg3[%add3A_74, %dma_start3A_103, %dma_start3A_104] : memref<320x8x128xi32, #tpu.memory_space<hbm>> -> memref<1x8x128xi32, #tpu.memory_space<hbm>>
      %dma_start3A_106 = tpu.memref_squeeze %dma_start3A_105 : memref<1x8x128xi32, #tpu.memory_space<hbm>> -> memref<8x128xi32, #tpu.memory_space<hbm>>
      tpu.enqueue_dma source(%dma_start3A_106 : memref<8x128xi32, #tpu.memory_space<hbm>>) target(%arg6 : memref<8x128xi32, #tpu.memory_space<vmem>>) target_semaphore(%run_scoped3A : memref<!tpu.dma_semaphore, #tpu.memory_space<semaphore_mem>>)
      %dma_wait3A_107 = arith.constant 0 : i32
      %dma_wait3A_108 = arith.constant 0 : i32
      %dma_wait3A_109 = tpu.memref_slice %arg3[%add3A_74, %dma_wait3A_107, %dma_wait3A_108] : memref<320x8x128xi32, #tpu.memory_space<hbm>> -> memref<1x8x128xi32, #tpu.memory_space<hbm>>
      %dma_wait3A_110 = tpu.memref_squeeze %dma_wait3A_109 : memref<1x8x128xi32, #tpu.memory_space<hbm>> -> memref<8x128xi32, #tpu.memory_space<hbm>>
      %dma_wait3A_111 = arith.constant 0 : i32
      %dma_wait3A_112 = arith.constant 0 : i32
      %dma_wait3A_113 = tpu.memref_slice %arg3[%add3A_74, %dma_wait3A_111, %dma_wait3A_112] : memref<320x8x128xi32, #tpu.memory_space<hbm>> -> memref<1x8x128xi32, #tpu.memory_space<hbm>>
      %dma_wait3A_114 = tpu.memref_squeeze %dma_wait3A_113 : memref<1x8x128xi32, #tpu.memory_space<hbm>> -> memref<8x128xi32, #tpu.memory_space<hbm>>
      tpu.wait_dma2 semaphore(%run_scoped3A : memref<!tpu.dma_semaphore, #tpu.memory_space<semaphore_mem>>) src(%dma_wait3A_114 : memref<8x128xi32, #tpu.memory_space<hbm>>) dst(%arg6 : memref<8x128xi32, #tpu.memory_space<vmem>>)
      tpu.yield
    }) : () -> ()
    "tpu.region"() ({
      %run_scoped3A = tpu.sem_alloc : memref<!tpu.dma_semaphore, #tpu.memory_space<semaphore_mem>>
      %dma_start3A_99 = arith.constant 0 : i32
      %dma_start3A_100 = arith.constant 0 : i32
      %dma_start3A_101 = tpu.memref_slice %arg4[%add3A_74, %dma_start3A_99, %dma_start3A_100] : memref<320x8x128xi32, #tpu.memory_space<hbm>> -> memref<1x8x128xi32, #tpu.memory_space<hbm>>
      %dma_start3A_102 = tpu.memref_squeeze %dma_start3A_101 : memref<1x8x128xi32, #tpu.memory_space<hbm>> -> memref<8x128xi32, #tpu.memory_space<hbm>>
      %dma_start3A_103 = arith.constant 0 : i32
      %dma_start3A_104 = arith.constant 0 : i32
      %dma_start3A_105 = tpu.memref_slice %arg4[%add3A_74, %dma_start3A_103, %dma_start3A_104] : memref<320x8x128xi32, #tpu.memory_space<hbm>> -> memref<1x8x128xi32, #tpu.memory_space<hbm>>
      %dma_start3A_106 = tpu.memref_squeeze %dma_start3A_105 : memref<1x8x128xi32, #tpu.memory_space<hbm>> -> memref<8x128xi32, #tpu.memory_space<hbm>>
      tpu.enqueue_dma source(%dma_start3A_106 : memref<8x128xi32, #tpu.memory_space<hbm>>) target(%arg7 : memref<8x128xi32, #tpu.memory_space<vmem>>) target_semaphore(%run_scoped3A : memref<!tpu.dma_semaphore, #tpu.memory_space<semaphore_mem>>)
      %dma_wait3A_107 = arith.constant 0 : i32
      %dma_wait3A_108 = arith.constant 0 : i32
      %dma_wait3A_109 = tpu.memref_slice %arg4[%add3A_74, %dma_wait3A_107, %dma_wait3A_108] : memref<320x8x128xi32, #tpu.memory_space<hbm>> -> memref<1x8x128xi32, #tpu.memory_space<hbm>>
      %dma_wait3A_110 = tpu.memref_squeeze %dma_wait3A_109 : memref<1x8x128xi32, #tpu.memory_space<hbm>> -> memref<8x128xi32, #tpu.memory_space<hbm>>
      %dma_wait3A_111 = arith.constant 0 : i32
      %dma_wait3A_112 = arith.constant 0 : i32
      %dma_wait3A_113 = tpu.memref_slice %arg4[%add3A_74, %dma_wait3A_111, %dma_wait3A_112] : memref<320x8x128xi32, #tpu.memory_space<hbm>> -> memref<1x8x128xi32, #tpu.memory_space<hbm>>
      %dma_wait3A_114 = tpu.memref_squeeze %dma_wait3A_113 : memref<1x8x128xi32, #tpu.memory_space<hbm>> -> memref<8x128xi32, #tpu.memory_space<hbm>>
      tpu.wait_dma2 semaphore(%run_scoped3A : memref<!tpu.dma_semaphore, #tpu.memory_space<semaphore_mem>>) src(%dma_wait3A_114 : memref<8x128xi32, #tpu.memory_space<hbm>>) dst(%arg7 : memref<8x128xi32, #tpu.memory_space<vmem>>)
      tpu.yield
    }) : () -> ()
    %scan3A_75 = arith.constant 0 : i32
    %scan3A_76 = arith.constant 0 : i32
    %scan3A_77 = arith.constant 8 : i32
    %scan3A_78 = arith.addi %scan3A_76, %scan3A_77 : i32
    %scan3A_79 = arith.constant 1 : i32
    scf.for %scan3A_99 = %scan3A_76 to %scan3A_78 step %scan3A_79  : i32 {
      %mul3A_100 = arith.constant 16 : i32
      %mul3A_101 = arith.muli %scan3A_99, %mul3A_100 : i32
      %get3A = arith.constant 0 : i32
      %get3A_102 = arith.index_cast %get3A : i32 to index
      %get3A_103 = arith.index_cast %mul3A_101 : i32 to index
      %get3A_104 = tpu.vector_load %arg6[%get3A_102, %get3A_103] {strides = array<i32>} : memref<8x128xi32, #tpu.memory_space<vmem>>, vector<16xi32>,
      %swap3A = arith.index_cast %mul3A_101 : i32 to index
      %swap3A_105 = tpu.vector_load %arg8[%swap3A] {strides = array<i32>} : memref<128xi32, #tpu.memory_space<vmem>>, vector<16xi32>,
      tpu.vector_store %arg8[%swap3A], %get3A_104 {strides = array<i32>} : memref<128xi32, #tpu.memory_space<vmem>>, vector<16xi32>,
      %get3A_106 = arith.constant 0 : i32
      %get3A_107 = arith.index_cast %get3A_106 : i32 to index
      %get3A_108 = arith.index_cast %mul3A_101 : i32 to index
      %get3A_109 = tpu.vector_load %arg7[%get3A_107, %get3A_108] {strides = array<i32>} : memref<8x128xi32, #tpu.memory_space<vmem>>, vector<16xi32>,
      %swap3A_110 = arith.index_cast %mul3A_101 : i32 to index
      %swap3A_111 = tpu.vector_load %arg10[%swap3A_110] {strides = array<i32>} : memref<128xi32, #tpu.memory_space<vmem>>, vector<16xi32>,
      tpu.vector_store %arg10[%swap3A_110], %get3A_109 {strides = array<i32>} : memref<128xi32, #tpu.memory_space<vmem>>, vector<16xi32>,
    }
    %scan3A_80 = arith.constant 8 : i32
    %dma_start3A = arith.constant 0 : i32
    %dma_start3A_81 = arith.constant 0 : i32
    %dma_start3A_82 = tpu.memref_slice %arg2[%dma_start3A, %dma_start3A_81] : memref<10000x128xf32, #tpu.memory_space<hbm>> -> memref<10000x128xf32, #tpu.memory_space<hbm>>
    tpu.enqueue_indirect_dma source(%dma_start3A_82 : memref<10000x128xf32, #tpu.memory_space<hbm>>) target(%arg12 : memref<128x128xf32, #tpu.memory_space<vmem>>) offsets(%arg8 : memref<128xi32, #tpu.memory_space<vmem>>) semaphore(%arg16 : memref<!tpu.dma_semaphore, #tpu.memory_space<semaphore_mem>>)
    %scan3A_83 = arith.constant 0 : i32
    %scan3A_84 = arith.constant 0 : i32
    %scan3A_85 = arith.constant 40 : i32
    %scan3A_86 = arith.addi %scan3A_84, %scan3A_85 : i32
    %scan3A_87 = arith.constant 1 : i32
    scf.for %scan3A_99 = %scan3A_84 to %scan3A_86 step %scan3A_87  : i32 {
      %mul3A_100 = arith.constant 2 : i32
      %mul3A_101 = arith.muli %mul3A_100, %scan3A_99 : i32
      %gt3A = arith.constant 0 : i32
      %gt3A_102 = arith.cmpi sgt, %scan3A_99, %gt3A : i32
      %convert_element_type3A = arith.extui %gt3A_102 : i1 to i32
      %cond3A = arith.constant 0 : i32
      %cond3A_103 = arith.cmpi ne, %convert_element_type3A, %cond3A : i32
      scf.if %cond3A_103 {
        %dma_wait3A_165 = arith.constant 0 : i32
        %dma_wait3A_166 = arith.constant 0 : i32
        %dma_wait3A_167 = tpu.memref_slice %arg15[%dma_wait3A_165, %dma_wait3A_166] : memref<10240x128xf32, #tpu.memory_space<vmem_shared>> -> memref<10240x128xf32, #tpu.memory_space<vmem_shared>>
        tpu.wait_indirect_dma semaphore(%arg19 : memref<!tpu.dma_semaphore, #tpu.memory_space<semaphore_mem>>) src(%arg13 : memref<128x128xf32, #tpu.memory_space<vmem>>) dst(%dma_wait3A_167 : memref<10240x128xf32, #tpu.memory_space<vmem_shared>>)
      } else {
      }
      %add3A_104 = arith.constant 1 : i32
      %add3A_105 = arith.addi %mul3A_101, %add3A_104 : i32
      %jit3A = arith.constant 8 : i32
      %eq3A = arith.constant 0 : i32
      %eq3A_106 = arith.cmpi eq, %jit3A, %eq3A : i32
      %jit3A_107 = arith.constant 1 : i32
      %select_n3A = arith.select %eq3A_106, %jit3A_107, %jit3A : i32
      %rem3A = arith.remsi %add3A_105, %select_n3A : i32
      %ne3A = arith.constant 0 : i32
      %ne3A_108 = arith.cmpi ne, %rem3A, %ne3A : i32
      %lt3A = arith.constant 0 : i32
      %lt3A_109 = arith.cmpi slt, %rem3A, %lt3A : i32
      %lt3A_110 = arith.constant 0 : i32
      %lt3A_111 = arith.cmpi slt, %select_n3A, %lt3A_110 : i32
      %ne3A_112 = arith.xori %lt3A_109, %lt3A_111 : i1
      %and3A = arith.andi %ne3A_112, %ne3A_108 : i1
      %add3A_113 = arith.addi %rem3A, %select_n3A : i32
      %select_n3A_114 = arith.select %and3A, %add3A_113, %rem3A : i32
      %scan3A_115 = arith.constant 0 : i32
      %scan3A_116 = arith.constant 0 : i32
      %scan3A_117 = arith.constant 8 : i32
      %scan3A_118 = arith.addi %scan3A_116, %scan3A_117 : i32
      %scan3A_119 = arith.constant 1 : i32
      scf.for %scan3A_165 = %scan3A_116 to %scan3A_118 step %scan3A_119  : i32 {
        %mul3A_166 = arith.constant 16 : i32
        %mul3A_167 = arith.muli %scan3A_165, %mul3A_166 : i32
        %get3A = arith.index_cast %select_n3A_114 : i32 to index
        %get3A_168 = arith.index_cast %mul3A_167 : i32 to index
        %get3A_169 = tpu.vector_load %arg6[%get3A, %get3A_168] {strides = array<i32>} : memref<8x128xi32, #tpu.memory_space<vmem>>, vector<16xi32>,
        %swap3A = arith.index_cast %mul3A_167 : i32 to index
        %swap3A_170 = tpu.vector_load %arg9[%swap3A] {strides = array<i32>} : memref<128xi32, #tpu.memory_space<vmem>>, vector<16xi32>,
        tpu.vector_store %arg9[%swap3A], %get3A_169 {strides = array<i32>} : memref<128xi32, #tpu.memory_space<vmem>>, vector<16xi32>,
        %get3A_171 = arith.index_cast %select_n3A_114 : i32 to index
        %get3A_172 = arith.index_cast %mul3A_167 : i32 to index
        %get3A_173 = tpu.vector_load %arg7[%get3A_171, %get3A_172] {strides = array<i32>} : memref<8x128xi32, #tpu.memory_space<vmem>>, vector<16xi32>,
        %swap3A_174 = arith.index_cast %mul3A_167 : i32 to index
        %swap3A_175 = tpu.vector_load %arg11[%swap3A_174] {strides = array<i32>} : memref<128xi32, #tpu.memory_space<vmem>>, vector<16xi32>,
        tpu.vector_store %arg11[%swap3A_174], %get3A_173 {strides = array<i32>} : memref<128xi32, #tpu.memory_space<vmem>>, vector<16xi32>,
      }
      %scan3A_120 = arith.constant 8 : i32
      %dma_start3A_121 = arith.constant 0 : i32
      %dma_start3A_122 = arith.constant 0 : i32
      %dma_start3A_123 = tpu.memref_slice %arg2[%dma_start3A_121, %dma_start3A_122] : memref<10000x128xf32, #tpu.memory_space<hbm>> -> memref<10000x128xf32, #tpu.memory_space<hbm>>
      tpu.enqueue_indirect_dma source(%dma_start3A_123 : memref<10000x128xf32, #tpu.memory_space<hbm>>) target(%arg13 : memref<128x128xf32, #tpu.memory_space<vmem>>) offsets(%arg9 : memref<128xi32, #tpu.memory_space<vmem>>) semaphore(%arg17 : memref<!tpu.dma_semaphore, #tpu.memory_space<semaphore_mem>>)
      %dma_wait3A_124 = arith.constant 0 : i32
      %dma_wait3A_125 = arith.constant 0 : i32
      %dma_wait3A_126 = tpu.memref_slice %arg2[%dma_wait3A_124, %dma_wait3A_125] : memref<10000x128xf32, #tpu.memory_space<hbm>> -> memref<10000x128xf32, #tpu.memory_space<hbm>>
      tpu.wait_indirect_dma semaphore(%arg16 : memref<!tpu.dma_semaphore, #tpu.memory_space<semaphore_mem>>) src(%dma_wait3A_126 : memref<10000x128xf32, #tpu.memory_space<hbm>>) dst(%arg12 : memref<128x128xf32, #tpu.memory_space<vmem>>)
      %dma_start3A_127 = arith.constant 0 : i32
      %dma_start3A_128 = arith.constant 0 : i32
      %dma_start3A_129 = tpu.memref_slice %arg15[%dma_start3A_127, %dma_start3A_128] : memref<10240x128xf32, #tpu.memory_space<vmem_shared>> -> memref<10240x128xf32, #tpu.memory_space<vmem_shared>>
      tpu.enqueue_indirect_dma source(%arg12 : memref<128x128xf32, #tpu.memory_space<vmem>>) target(%dma_start3A_129 : memref<10240x128xf32, #tpu.memory_space<vmem_shared>>) offsets(%arg10 : memref<128xi32, #tpu.memory_space<vmem>>) semaphore(%arg18 : memref<!tpu.dma_semaphore, #tpu.memory_space<semaphore_mem>>) {add = true}
      %dma_wait3A_130 = arith.constant 0 : i32
      %dma_wait3A_131 = arith.constant 0 : i32
      %dma_wait3A_132 = tpu.memref_slice %arg15[%dma_wait3A_130, %dma_wait3A_131] : memref<10240x128xf32, #tpu.memory_space<vmem_shared>> -> memref<10240x128xf32, #tpu.memory_space<vmem_shared>>
      tpu.wait_indirect_dma semaphore(%arg18 : memref<!tpu.dma_semaphore, #tpu.memory_space<semaphore_mem>>) src(%arg12 : memref<128x128xf32, #tpu.memory_space<vmem>>) dst(%dma_wait3A_132 : memref<10240x128xf32, #tpu.memory_space<vmem_shared>>)
      %jit3A_133 = arith.constant 4 : i32
      %eq3A_134 = arith.constant 0 : i32
      %eq3A_135 = arith.cmpi eq, %jit3A_133, %eq3A_134 : i32
      %jit3A_136 = arith.constant 1 : i32
      %select_n3A_137 = arith.select %eq3A_135, %jit3A_136, %jit3A_133 : i32
      %rem3A_138 = arith.remsi %scan3A_99, %select_n3A_137 : i32
      %ne3A_139 = arith.constant 0 : i32
      %ne3A_140 = arith.cmpi ne, %rem3A_138, %ne3A_139 : i32
      %lt3A_141 = arith.constant 0 : i32
      %lt3A_142 = arith.cmpi slt, %rem3A_138, %lt3A_141 : i32
      %lt3A_143 = arith.constant 0 : i32
      %lt3A_144 = arith.cmpi slt, %select_n3A_137, %lt3A_143 : i32
      %ne3A_145 = arith.xori %lt3A_142, %lt3A_144 : i1
      %and3A_146 = arith.andi %ne3A_145, %ne3A_140 : i1
      %add3A_147 = arith.addi %rem3A_138, %select_n3A_137 : i32
      %select_n3A_148 = arith.select %and3A_146, %add3A_147, %rem3A_138 : i32
      %eq3A_149 = arith.constant 3 : i32
      %eq3A_150 = arith.cmpi eq, %select_n3A_148, %eq3A_149 : i32
      %convert_element_type3A_151 = arith.extui %eq3A_150 : i1 to i32
      %cond3A_152 = arith.constant 0 : i32
      %cond3A_153 = arith.cmpi ne, %convert_element_type3A_151, %cond3A_152 : i32
      scf.if %cond3A_153 {
        %mul3A_165 = arith.constant 2 : i32
        %mul3A_166 = arith.muli %mul3A_165, %scan3A_99 : i32
        %add3A_167 = arith.constant 2 : i32
        %add3A_168 = arith.addi %mul3A_166, %add3A_167 : i32
        %jit3A_169 = arith.constant 8 : i32
        %div3A = arith.divsi %add3A_168, %jit3A_169 : i32
        %sign3A = arith.constant 0 : i32
        %sign3A_170 = arith.cmpi sgt, %add3A_168, %sign3A : i32
        %sign3A_171 = arith.extui %sign3A_170 : i1 to i32
        %sign3A_172 = arith.constant 0 : i32
        %sign3A_173 = arith.cmpi slt, %add3A_168, %sign3A_172 : i32
        %sign3A_174 = arith.extui %sign3A_173 : i1 to i32
        %sign3A_175 = arith.subi %sign3A_171, %sign3A_174 : i32
        %sign3A_176 = arith.constant 0 : i32
        %sign3A_177 = arith.cmpi sgt, %jit3A_169, %sign3A_176 : i32
        %sign3A_178 = arith.extui %sign3A_177 : i1 to i32
        %sign3A_179 = arith.constant 0 : i32
        %sign3A_180 = arith.cmpi slt, %jit3A_169, %sign3A_179 : i32
        %sign3A_181 = arith.extui %sign3A_180 : i1 to i32
        %sign3A_182 = arith.subi %sign3A_178, %sign3A_181 : i32
        %ne3A_183 = arith.cmpi ne, %sign3A_175, %sign3A_182 : i32
        %rem3A_184 = arith.remsi %add3A_168, %jit3A_169 : i32
        %ne3A_185 = arith.constant 0 : i32
        %ne3A_186 = arith.cmpi ne, %rem3A_184, %ne3A_185 : i32
        %and3A_187 = arith.andi %ne3A_183, %ne3A_186 : i1
        %sub3A = arith.constant 1 : i32
        %sub3A_188 = arith.subi %div3A, %sub3A : i32
        %select_n3A_189 = arith.select %and3A_187, %sub3A_188, %div3A : i32
        %lt3A_190 = arith.constant 10 : i32
        %lt3A_191 = arith.cmpi slt, %select_n3A_189, %lt3A_190 : i32
        %convert_element_type3A_192 = arith.extui %lt3A_191 : i1 to i32
        %cond3A_193 = arith.constant 0 : i32
        %cond3A_194 = arith.cmpi ne, %convert_element_type3A_192, %cond3A_193 : i32
        scf.if %cond3A_194 {
          %mul3A_195 = arith.constant 10 : i32
          %mul3A_196 = arith.muli %add3A, %mul3A_195 : i32
          %add3A_197 = arith.addi %mul3A_196, %select_n3A_189 : i32
          "tpu.region"() ({
            %run_scoped3A = tpu.sem_alloc : memref<!tpu.dma_semaphore, #tpu.memory_space<semaphore_mem>>
            %dma_start3A_198 = arith.constant 0 : i32
            %dma_start3A_199 = arith.constant 0 : i32
            %dma_start3A_200 = tpu.memref_slice %arg3[%add3A_197, %dma_start3A_198, %dma_start3A_199] : memref<320x8x128xi32, #tpu.memory_space<hbm>> -> memref<1x8x128xi32, #tpu.memory_space<hbm>>
            %dma_start3A_201 = tpu.memref_squeeze %dma_start3A_200 : memref<1x8x128xi32, #tpu.memory_space<hbm>> -> memref<8x128xi32, #tpu.memory_space<hbm>>
            %dma_start3A_202 = arith.constant 0 : i32
            %dma_start3A_203 = arith.constant 0 : i32
            %dma_start3A_204 = tpu.memref_slice %arg3[%add3A_197, %dma_start3A_202, %dma_start3A_203] : memref<320x8x128xi32, #tpu.memory_space<hbm>> -> memref<1x8x128xi32, #tpu.memory_space<hbm>>
            %dma_start3A_205 = tpu.memref_squeeze %dma_start3A_204 : memref<1x8x128xi32, #tpu.memory_space<hbm>> -> memref<8x128xi32, #tpu.memory_space<hbm>>
            tpu.enqueue_dma source(%dma_start3A_205 : memref<8x128xi32, #tpu.memory_space<hbm>>) target(%arg6 : memref<8x128xi32, #tpu.memory_space<vmem>>) target_semaphore(%run_scoped3A : memref<!tpu.dma_semaphore, #tpu.memory_space<semaphore_mem>>)
            %dma_wait3A_206 = arith.constant 0 : i32
            %dma_wait3A_207 = arith.constant 0 : i32
            %dma_wait3A_208 = tpu.memref_slice %arg3[%add3A_197, %dma_wait3A_206, %dma_wait3A_207] : memref<320x8x128xi32, #tpu.memory_space<hbm>> -> memref<1x8x128xi32, #tpu.memory_space<hbm>>
            %dma_wait3A_209 = tpu.memref_squeeze %dma_wait3A_208 : memref<1x8x128xi32, #tpu.memory_space<hbm>> -> memref<8x128xi32, #tpu.memory_space<hbm>>
            %dma_wait3A_210 = arith.constant 0 : i32
            %dma_wait3A_211 = arith.constant 0 : i32
            %dma_wait3A_212 = tpu.memref_slice %arg3[%add3A_197, %dma_wait3A_210, %dma_wait3A_211] : memref<320x8x128xi32, #tpu.memory_space<hbm>> -> memref<1x8x128xi32, #tpu.memory_space<hbm>>
            %dma_wait3A_213 = tpu.memref_squeeze %dma_wait3A_212 : memref<1x8x128xi32, #tpu.memory_space<hbm>> -> memref<8x128xi32, #tpu.memory_space<hbm>>
            tpu.wait_dma2 semaphore(%run_scoped3A : memref<!tpu.dma_semaphore, #tpu.memory_space<semaphore_mem>>) src(%dma_wait3A_213 : memref<8x128xi32, #tpu.memory_space<hbm>>) dst(%arg6 : memref<8x128xi32, #tpu.memory_space<vmem>>)
            tpu.yield
          }) : () -> ()
          "tpu.region"() ({
            %run_scoped3A = tpu.sem_alloc : memref<!tpu.dma_semaphore, #tpu.memory_space<semaphore_mem>>
            %dma_start3A_198 = arith.constant 0 : i32
            %dma_start3A_199 = arith.constant 0 : i32
            %dma_start3A_200 = tpu.memref_slice %arg4[%add3A_197, %dma_start3A_198, %dma_start3A_199] : memref<320x8x128xi32, #tpu.memory_space<hbm>> -> memref<1x8x128xi32, #tpu.memory_space<hbm>>
            %dma_start3A_201 = tpu.memref_squeeze %dma_start3A_200 : memref<1x8x128xi32, #tpu.memory_space<hbm>> -> memref<8x128xi32, #tpu.memory_space<hbm>>
            %dma_start3A_202 = arith.constant 0 : i32
            %dma_start3A_203 = arith.constant 0 : i32
            %dma_start3A_204 = tpu.memref_slice %arg4[%add3A_197, %dma_start3A_202, %dma_start3A_203] : memref<320x8x128xi32, #tpu.memory_space<hbm>> -> memref<1x8x128xi32, #tpu.memory_space<hbm>>
            %dma_start3A_205 = tpu.memref_squeeze %dma_start3A_204 : memref<1x8x128xi32, #tpu.memory_space<hbm>> -> memref<8x128xi32, #tpu.memory_space<hbm>>
            tpu.enqueue_dma source(%dma_start3A_205 : memref<8x128xi32, #tpu.memory_space<hbm>>) target(%arg7 : memref<8x128xi32, #tpu.memory_space<vmem>>) target_semaphore(%run_scoped3A : memref<!tpu.dma_semaphore, #tpu.memory_space<semaphore_mem>>)
            %dma_wait3A_206 = arith.constant 0 : i32
            %dma_wait3A_207 = arith.constant 0 : i32
            %dma_wait3A_208 = tpu.memref_slice %arg4[%add3A_197, %dma_wait3A_206, %dma_wait3A_207] : memref<320x8x128xi32, #tpu.memory_space<hbm>> -> memref<1x8x128xi32, #tpu.memory_space<hbm>>
            %dma_wait3A_209 = tpu.memref_squeeze %dma_wait3A_208 : memref<1x8x128xi32, #tpu.memory_space<hbm>> -> memref<8x128xi32, #tpu.memory_space<hbm>>
            %dma_wait3A_210 = arith.constant 0 : i32
            %dma_wait3A_211 = arith.constant 0 : i32
            %dma_wait3A_212 = tpu.memref_slice %arg4[%add3A_197, %dma_wait3A_210, %dma_wait3A_211] : memref<320x8x128xi32, #tpu.memory_space<hbm>> -> memref<1x8x128xi32, #tpu.memory_space<hbm>>
            %dma_wait3A_213 = tpu.memref_squeeze %dma_wait3A_212 : memref<1x8x128xi32, #tpu.memory_space<hbm>> -> memref<8x128xi32, #tpu.memory_space<hbm>>
            tpu.wait_dma2 semaphore(%run_scoped3A : memref<!tpu.dma_semaphore, #tpu.memory_space<semaphore_mem>>) src(%dma_wait3A_213 : memref<8x128xi32, #tpu.memory_space<hbm>>) dst(%arg7 : memref<8x128xi32, #tpu.memory_space<vmem>>)
            tpu.yield
          }) : () -> ()
        } else {
        }
      } else {
      }
      %lt3A_154 = arith.constant 39 : i32
      %lt3A_155 = arith.cmpi slt, %scan3A_99, %lt3A_154 : i32
      %convert_element_type3A_156 = arith.extui %lt3A_155 : i1 to i32
      %cond3A_157 = arith.constant 0 : i32
      %cond3A_158 = arith.cmpi ne, %convert_element_type3A_156, %cond3A_157 : i32
      scf.if %cond3A_158 {
        %add3A_165 = arith.constant 2 : i32
        %add3A_166 = arith.addi %mul3A_101, %add3A_165 : i32
        %jit3A_167 = arith.constant 8 : i32
        %eq3A_168 = arith.constant 0 : i32
        %eq3A_169 = arith.cmpi eq, %jit3A_167, %eq3A_168 : i32
        %jit3A_170 = arith.constant 1 : i32
        %select_n3A_171 = arith.select %eq3A_169, %jit3A_170, %jit3A_167 : i32
        %rem3A_172 = arith.remsi %add3A_166, %select_n3A_171 : i32
        %ne3A_173 = arith.constant 0 : i32
        %ne3A_174 = arith.cmpi ne, %rem3A_172, %ne3A_173 : i32
        %lt3A_175 = arith.constant 0 : i32
        %lt3A_176 = arith.cmpi slt, %rem3A_172, %lt3A_175 : i32
        %lt3A_177 = arith.constant 0 : i32
        %lt3A_178 = arith.cmpi slt, %select_n3A_171, %lt3A_177 : i32
        %ne3A_179 = arith.xori %lt3A_176, %lt3A_178 : i1
        %and3A_180 = arith.andi %ne3A_179, %ne3A_174 : i1
        %add3A_181 = arith.addi %rem3A_172, %select_n3A_171 : i32
        %select_n3A_182 = arith.select %and3A_180, %add3A_181, %rem3A_172 : i32
        %scan3A_183 = arith.constant 0 : i32
        %scan3A_184 = arith.constant 0 : i32
        %scan3A_185 = arith.constant 8 : i32
        %scan3A_186 = arith.addi %scan3A_184, %scan3A_185 : i32
        %scan3A_187 = arith.constant 1 : i32
        scf.for %scan3A_192 = %scan3A_184 to %scan3A_186 step %scan3A_187  : i32 {
          %mul3A_193 = arith.constant 16 : i32
          %mul3A_194 = arith.muli %scan3A_192, %mul3A_193 : i32
          %get3A = arith.index_cast %select_n3A_182 : i32 to index
          %get3A_195 = arith.index_cast %mul3A_194 : i32 to index
          %get3A_196 = tpu.vector_load %arg6[%get3A, %get3A_195] {strides = array<i32>} : memref<8x128xi32, #tpu.memory_space<vmem>>, vector<16xi32>,
          %swap3A = arith.index_cast %mul3A_194 : i32 to index
          %swap3A_197 = tpu.vector_load %arg8[%swap3A] {strides = array<i32>} : memref<128xi32, #tpu.memory_space<vmem>>, vector<16xi32>,
          tpu.vector_store %arg8[%swap3A], %get3A_196 {strides = array<i32>} : memref<128xi32, #tpu.memory_space<vmem>>, vector<16xi32>,
          %get3A_198 = arith.index_cast %select_n3A_182 : i32 to index
          %get3A_199 = arith.index_cast %mul3A_194 : i32 to index
          %get3A_200 = tpu.vector_load %arg7[%get3A_198, %get3A_199] {strides = array<i32>} : memref<8x128xi32, #tpu.memory_space<vmem>>, vector<16xi32>,
          %swap3A_201 = arith.index_cast %mul3A_194 : i32 to index
          %swap3A_202 = tpu.vector_load %arg10[%swap3A_201] {strides = array<i32>} : memref<128xi32, #tpu.memory_space<vmem>>, vector<16xi32>,
          tpu.vector_store %arg10[%swap3A_201], %get3A_200 {strides = array<i32>} : memref<128xi32, #tpu.memory_space<vmem>>, vector<16xi32>,
        }
        %scan3A_188 = arith.constant 8 : i32
        %dma_start3A_189 = arith.constant 0 : i32
        %dma_start3A_190 = arith.constant 0 : i32
        %dma_start3A_191 = tpu.memref_slice %arg2[%dma_start3A_189, %dma_start3A_190] : memref<10000x128xf32, #tpu.memory_space<hbm>> -> memref<10000x128xf32, #tpu.memory_space<hbm>>
        tpu.enqueue_indirect_dma source(%dma_start3A_191 : memref<10000x128xf32, #tpu.memory_space<hbm>>) target(%arg12 : memref<128x128xf32, #tpu.memory_space<vmem>>) offsets(%arg8 : memref<128xi32, #tpu.memory_space<vmem>>) semaphore(%arg16 : memref<!tpu.dma_semaphore, #tpu.memory_space<semaphore_mem>>)
      } else {
      }
      %dma_wait3A_159 = arith.constant 0 : i32
      %dma_wait3A_160 = arith.constant 0 : i32
      %dma_wait3A_161 = tpu.memref_slice %arg2[%dma_wait3A_159, %dma_wait3A_160] : memref<10000x128xf32, #tpu.memory_space<hbm>> -> memref<10000x128xf32, #tpu.memory_space<hbm>>
      tpu.wait_indirect_dma semaphore(%arg17 : memref<!tpu.dma_semaphore, #tpu.memory_space<semaphore_mem>>) src(%dma_wait3A_161 : memref<10000x128xf32, #tpu.memory_space<hbm>>) dst(%arg13 : memref<128x128xf32, #tpu.memory_space<vmem>>)
      %dma_start3A_162 = arith.constant 0 : i32
      %dma_start3A_163 = arith.constant 0 : i32
      %dma_start3A_164 = tpu.memref_slice %arg15[%dma_start3A_162, %dma_start3A_163] : memref<10240x128xf32, #tpu.memory_space<vmem_shared>> -> memref<10240x128xf32, #tpu.memory_space<vmem_shared>>
      tpu.enqueue_indirect_dma source(%arg13 : memref<128x128xf32, #tpu.memory_space<vmem>>) target(%dma_start3A_164 : memref<10240x128xf32, #tpu.memory_space<vmem_shared>>) offsets(%arg11 : memref<128xi32, #tpu.memory_space<vmem>>) semaphore(%arg19 : memref<!tpu.dma_semaphore, #tpu.memory_space<semaphore_mem>>) {add = true}
    }
    %scan3A_88 = arith.constant 40 : i32
    %dma_wait3A = arith.constant 0 : i32
    %dma_wait3A_89 = arith.constant 0 : i32
    %dma_wait3A_90 = tpu.memref_slice %arg15[%dma_wait3A, %dma_wait3A_89] : memref<10240x128xf32, #tpu.memory_space<vmem_shared>> -> memref<10240x128xf32, #tpu.memory_space<vmem_shared>>
    tpu.wait_indirect_dma semaphore(%arg19 : memref<!tpu.dma_semaphore, #tpu.memory_space<semaphore_mem>>) src(%arg13 : memref<128x128xf32, #tpu.memory_space<vmem>>) dst(%dma_wait3A_90 : memref<10240x128xf32, #tpu.memory_space<vmem_shared>>)
    %barrier3A_91 = arith.constant 0 : index
    tpu.barrier barrier_id(%barrier3A_91)
    %mul3A_92 = arith.constant 640 : i32
    %mul3A_93 = arith.muli %arg1, %mul3A_92 : i32
    %mul3A_94 = arith.constant 10240 : i32
    %mul3A_95 = arith.muli %arg0, %mul3A_94 : i32
    %mul3A_96 = arith.constant 640 : i32
    %mul3A_97 = arith.muli %arg1, %mul3A_96 : i32
    %add3A_98 = arith.addi %mul3A_95, %mul3A_97 : i32
    "tpu.region"() ({
      %run_scoped3A = tpu.sem_alloc : memref<!tpu.dma_semaphore, #tpu.memory_space<semaphore_mem>>
      %dma_start3A_99 = arith.constant 0 : i32
      %dma_start3A_100 = tpu.memref_slice %arg5[%add3A_98, %dma_start3A_99] : memref<20480x128xf32, #tpu.memory_space<hbm>> -> memref<640x128xf32, #tpu.memory_space<hbm>>
      %dma_start3A_101 = arith.constant 0 : i32
      %dma_start3A_102 = tpu.memref_slice %arg15[%mul3A_93, %dma_start3A_101] : memref<10240x128xf32, #tpu.memory_space<vmem_shared>> -> memref<640x128xf32, #tpu.memory_space<vmem_shared>>
      tpu.enqueue_dma source(%dma_start3A_102 : memref<640x128xf32, #tpu.memory_space<vmem_shared>>) target(%dma_start3A_100 : memref<640x128xf32, #tpu.memory_space<hbm>>) target_semaphore(%run_scoped3A : memref<!tpu.dma_semaphore, #tpu.memory_space<semaphore_mem>>)
      %dma_wait3A_103 = arith.constant 0 : i32
      %dma_wait3A_104 = tpu.memref_slice %arg5[%add3A_98, %dma_wait3A_103] : memref<20480x128xf32, #tpu.memory_space<hbm>> -> memref<640x128xf32, #tpu.memory_space<hbm>>
      %dma_wait3A_105 = arith.constant 0 : i32
      %dma_wait3A_106 = tpu.memref_slice %arg15[%mul3A_93, %dma_wait3A_105] : memref<10240x128xf32, #tpu.memory_space<vmem_shared>> -> memref<640x128xf32, #tpu.memory_space<vmem_shared>>
      tpu.wait_dma2 semaphore(%run_scoped3A : memref<!tpu.dma_semaphore, #tpu.memory_space<semaphore_mem>>) src(%dma_wait3A_106 : memref<640x128xf32, #tpu.memory_space<vmem_shared>>) dst(%dma_wait3A_104 : memref<640x128xf32, #tpu.memory_space<hbm>>)
      tpu.yield
    }) : () -> ()
    return
  }
}

module attributes {stable_mosaic.version = 14 : i64} {
  func.func @body(%arg0: memref<20480x128xf32, #tpu.memory_space<vmem>>, %arg1: memref<10000x128xf32, #tpu.memory_space<vmem>>, %arg2: memref<10000x8xf32, #tpu.memory_space<vmem>>, %arg3: memref<128x128xf32, #tpu.memory_space<vmem>>, %arg4: memref<128xf32, #tpu.memory_space<vmem>>, %arg5: memref<128xf32, #tpu.memory_space<vmem>>, %arg6: memref<128xf32, #tpu.memory_space<vmem>>, %arg7: memref<128x128xf32, #tpu.memory_space<vmem>>, %arg8: memref<128xf32, #tpu.memory_space<vmem>>, %arg9: memref<1x128xf32, #tpu.memory_space<vmem>>, %arg10: memref<10000x128xf32, #tpu.memory_space<vmem>>) attributes {dimension_semantics = [], scalar_prefetch = 0 : i64, scratch_operands = 0 : i64, tpu.core_type = #tpu.core_type<tc>} {
    %get3A = arith.constant 0 : index
    %get3A_0 = arith.constant 0 : index
    %get3A_1 = vector.load %arg0[%get3A, %get3A_0] : memref<20480x128xf32, #tpu.memory_space<vmem>>, vector<10000x128xf32>
    %get3A_2 = arith.constant 10240 : index
    %get3A_3 = arith.constant 0 : index
    %get3A_4 = vector.load %arg0[%get3A_2, %get3A_3] : memref<20480x128xf32, #tpu.memory_space<vmem>>, vector<10000x128xf32>
    %add3A = arith.addf %get3A_1, %get3A_4 : vector<10000x128xf32>
    %get3A_5 = arith.constant 0 : index
    %get3A_6 = arith.constant 0 : index
    %get3A_7 = vector.load %arg2[%get3A_5, %get3A_6] : memref<10000x8xf32, #tpu.memory_space<vmem>>, vector<10000x8xf32>
    %reduce_max3A = arith.constant dense<0xFF800000> : vector<10000xf32>
    %reduce_max3A_8 = vector.multi_reduction <maximumf>, %get3A_7, %reduce_max3A [1] : vector<10000x8xf32> to vector<10000xf32>
    %broadcast_in_dim3A = vector.shape_cast %reduce_max3A_8 : vector<10000xf32> to vector<10000x1xf32>
    %max3A = arith.constant 1.000000e+00 : f32
    %max3A_9 = vector.broadcast %max3A : f32 to vector<10000x1xf32>
    %max3A_10 = arith.maximumf %broadcast_in_dim3A, %max3A_9 : vector<10000x1xf32>
    %div3A = vector.broadcast %max3A_10 : vector<10000x1xf32> to vector<10000x128xf32>
    %div3A_11 = arith.divf %add3A, %div3A : vector<10000x128xf32>
    %get3A_12 = arith.constant 0 : index
    %get3A_13 = arith.constant 0 : index
    %get3A_14 = vector.load %arg1[%get3A_12, %get3A_13] : memref<10000x128xf32, #tpu.memory_space<vmem>>, vector<10000x128xf32>
    %add3A_15 = arith.addf %get3A_14, %div3A_11 : vector<10000x128xf32>
    %get3A_16 = arith.constant 0 : index
    %get3A_17 = arith.constant 0 : index
    %get3A_18 = vector.load %arg3[%get3A_16, %get3A_17] : memref<128x128xf32, #tpu.memory_space<vmem>>, vector<128x128xf32>
    %dot_general3A = arith.constant dense<0.000000e+00> : vector<10000x128xf32>
    %dot_general3A_19 = tpu.matmul %add3A_15, %get3A_18, %dot_general3A {dimension_numbers = #tpu.dot_dimension_numbers<[1], [1], [0], [0], [0, 0, 1, 0], [], []>, transpose_lhs_hint = false} : vector<10000x128xf32>, vector<128x128xf32>, vector<10000x128xf32> -> vector<10000x128xf32>
    %get3A_20 = arith.constant 0 : index
    %get3A_21 = vector.load %arg4[%get3A_20] : memref<128xf32, #tpu.memory_space<vmem>>, vector<128xf32>
    %broadcast_in_dim3A_22 = vector.shape_cast %get3A_21 : vector<128xf32> to vector<1x128xf32>
    %add3A_23 = vector.broadcast %broadcast_in_dim3A_22 : vector<1x128xf32> to vector<10000x128xf32>
    %add3A_24 = arith.addf %dot_general3A_19, %add3A_23 : vector<10000x128xf32>
    %reduce_sum3A = arith.constant dense<0.000000e+00> : vector<128xf32>
    %reduce_sum3A_25 = vector.multi_reduction <add>, %add3A_24, %reduce_sum3A [0] : vector<10000x128xf32> to vector<128xf32>
    %broadcast_in_dim3A_26 = vector.shape_cast %reduce_sum3A_25 : vector<128xf32> to vector<1x128xf32>
    %div3A_27 = arith.constant 1.000000e+04 : f32
    %div3A_28 = vector.broadcast %div3A_27 : f32 to vector<1x128xf32>
    %div3A_29 = arith.divf %broadcast_in_dim3A_26, %div3A_28 : vector<1x128xf32>
    %sub3A = vector.broadcast %div3A_29 : vector<1x128xf32> to vector<10000x128xf32>
    %sub3A_30 = arith.subf %add3A_24, %sub3A : vector<10000x128xf32>
    %mul3A = arith.mulf %sub3A_30, %sub3A_30 : vector<10000x128xf32>
    %reduce_sum3A_31 = arith.constant dense<0.000000e+00> : vector<128xf32>
    %reduce_sum3A_32 = vector.multi_reduction <add>, %mul3A, %reduce_sum3A_31 [0] : vector<10000x128xf32> to vector<128xf32>
    %broadcast_in_dim3A_33 = vector.shape_cast %reduce_sum3A_32 : vector<128xf32> to vector<1x128xf32>
    %div3A_34 = arith.constant 1.000000e+04 : f32
    %div3A_35 = vector.broadcast %div3A_34 : f32 to vector<1x128xf32>
    %div3A_36 = arith.divf %broadcast_in_dim3A_33, %div3A_35 : vector<1x128xf32>
    %get3A_37 = arith.constant 0 : index
    %get3A_38 = vector.load %arg5[%get3A_37] : memref<128xf32, #tpu.memory_space<vmem>>, vector<128xf32>
    %broadcast_in_dim3A_39 = vector.shape_cast %get3A_38 : vector<128xf32> to vector<1x128xf32>
    %add3A_40 = arith.constant 9.99999974E-6 : f32
    %add3A_41 = vector.broadcast %add3A_40 : f32 to vector<1x128xf32>
    %add3A_42 = arith.addf %div3A_36, %add3A_41 : vector<1x128xf32>
    %rsqrt3A = math.rsqrt %add3A_42 : vector<1x128xf32>
    %mul3A_43 = arith.mulf %broadcast_in_dim3A_39, %rsqrt3A : vector<1x128xf32>
    %mul3A_44 = vector.broadcast %mul3A_43 : vector<1x128xf32> to vector<10000x128xf32>
    %mul3A_45 = arith.mulf %sub3A_30, %mul3A_44 : vector<10000x128xf32>
    %get3A_46 = arith.constant 0 : index
    %get3A_47 = vector.load %arg6[%get3A_46] : memref<128xf32, #tpu.memory_space<vmem>>, vector<128xf32>
    %broadcast_in_dim3A_48 = vector.shape_cast %get3A_47 : vector<128xf32> to vector<1x128xf32>
    %add3A_49 = vector.broadcast %broadcast_in_dim3A_48 : vector<1x128xf32> to vector<10000x128xf32>
    %add3A_50 = arith.addf %mul3A_45, %add3A_49 : vector<10000x128xf32>
    %max3A_51 = arith.constant 0.000000e+00 : f32
    %max3A_52 = vector.broadcast %max3A_51 : f32 to vector<10000x128xf32>
    %max3A_53 = arith.maximumf %add3A_50, %max3A_52 : vector<10000x128xf32>
    %get3A_54 = arith.constant 0 : index
    %get3A_55 = arith.constant 0 : index
    %get3A_56 = vector.load %arg7[%get3A_54, %get3A_55] : memref<128x128xf32, #tpu.memory_space<vmem>>, vector<128x128xf32>
    %dot_general3A_57 = arith.constant dense<0.000000e+00> : vector<10000x128xf32>
    %dot_general3A_58 = tpu.matmul %max3A_53, %get3A_56, %dot_general3A_57 {dimension_numbers = #tpu.dot_dimension_numbers<[1], [1], [0], [0], [0, 0, 1, 0], [], []>, transpose_lhs_hint = false} : vector<10000x128xf32>, vector<128x128xf32>, vector<10000x128xf32> -> vector<10000x128xf32>
    %get3A_59 = arith.constant 0 : index
    %get3A_60 = vector.load %arg8[%get3A_59] : memref<128xf32, #tpu.memory_space<vmem>>, vector<128xf32>
    %broadcast_in_dim3A_61 = vector.shape_cast %get3A_60 : vector<128xf32> to vector<1x128xf32>
    %add3A_62 = vector.broadcast %broadcast_in_dim3A_61 : vector<1x128xf32> to vector<10000x128xf32>
    %add3A_63 = arith.addf %dot_general3A_58, %add3A_62 : vector<10000x128xf32>
    %get3A_64 = arith.constant 0 : index
    %get3A_65 = arith.constant 0 : index
    %get3A_66 = vector.load %arg9[%get3A_64, %get3A_65] : memref<1x128xf32, #tpu.memory_space<vmem>>, vector<1x128xf32>
    %gt3A = arith.constant 0.000000e+00 : f32
    %gt3A_67 = vector.broadcast %gt3A : f32 to vector<1x128xf32>
    %gt3A_68 = arith.cmpf ogt, %get3A_66, %gt3A_67 : vector<1x128xf32>
    %max3A_69 = arith.constant 0.000000e+00 : f32
    %max3A_70 = vector.broadcast %max3A_69 : f32 to vector<10000x128xf32>
    %max3A_71 = arith.maximumf %add3A_63, %max3A_70 : vector<10000x128xf32>
    %broadcast_in_dim3A_72 = vector.shape_cast %gt3A_68 : vector<1x128xi1> to vector<1x128xi1>
    %broadcast_in_dim3A_73 = vector.broadcast %broadcast_in_dim3A_72 : vector<1x128xi1> to vector<10000x128xi1>
    %select_n3A = arith.select %broadcast_in_dim3A_73, %max3A_71, %add3A_63 : vector<10000x128xi1>, vector<10000x128xf32>
    %swap3A = arith.constant 0 : index
    %swap3A_74 = arith.constant 0 : index
    %swap3A_75 = vector.load %arg10[%swap3A, %swap3A_74] : memref<10000x128xf32, #tpu.memory_space<vmem>>, vector<10000x128xf32>
    tpu.vector_store %arg10[%swap3A, %swap3A_74], %select_n3A {strides = array<i32>} : memref<10000x128xf32, #tpu.memory_space<vmem>>, vector<10000x128xf32>,
    return
  }
}

</mosaic_0001>

<sc_bundles>
// kernel: closed_call.11.cloned.1.call-start
scs
__scs_entry_jumppad:
0x0: {  	(pc) =	sbr.rel $0x88, $3  }
0x1: {  	(tag) =	ssettag $0x0;
	lr =	simm.s32 $0x1  }
0x2: {  	[smem:$0x3F93] =	sst lr;
	_ =	strace $0xD0000000  }
0x3: {  	_ = 	snop  }
0x4: {  	_ = 	snop  }
0x5: {  	_ = 	snop  }
0x6: {  	_ = 	snop  }
0x7: {  	_ = 	snop  }
__scs_overlays_trampoline_lowered:
0x8: {  	[smem:$0x3FA2] =	sst s0  }
0x9: {  	[smem:$0x3FA3] =	sst s1  }
0xa: {  	[smem:$0x3FA4] =	sst s2  }
0xb: {  	[smem:$0x3FA5] =	sst s3  }
0xc: {  	[smem:$0x3FA6] =	sst s4  }
0xd: {  	[smem:$0x3FA7] =	sst s5  }
0xe: {  	[smem:$0x3FA8] =	sst s6  }
0xf: {  	[smem:$0x3FA9] =	sst s7  }
0x10: {  	[smem:$0x3FAA] =	sst s8  }
0x11: {  	[smem:$0x3FAB] =	sst s9;
	s0 =	simm.s32 @!p0 $0x0  }
0x12: {  	s1 =	sld [smem:$0x3F91];
	s0 =	simm.s32 @p0 $0x1  }
0x13: {  	[smem:$0x3FAC] =	sst s0;
	s0 =	simm.s32 @!p1 $0x0  }
0x14: {  	s2 =	sld [smem:$0x3F90];
	s0 =	simm.s32 @p1 $0x1  }
0x15: {  	[smem:$0x3FAD] =	sst s0;
	s0 =	simm.s32 @!p2 $0x0  }
0x16: {  	s3 =	sld [smem:$0x3FDB];
	s0 =	simm.s32 @p2 $0x1  }
0x17: {  	s4 =	simm.s32 $0x1BF5;
	[smem:$0x3FAF] =	sst s0  }
0x18: {  	s0 =	sld [smem:$0x3F92];
	_ =	swait.ge [sflag:s4], $0x0  }
0x19: {  	s7 =	sld [smem:$0x3F93]  }
0x1a: {  	s8 =	sadd.s32 $0xFFFFE003, lr  }
0x1b: {  	s9 =	sadd.s32 $0xFFFFFEF7, lr;
	s5 =	simm.s32 $0xFFFFFFFF;
	p2 =	slt.u32 s8, $0xFFFFF086  }
0x1c: {  	p1 =	slt.u32 s9, $0xF7A;
	s5 =	simm.s32 @!p2 $0x0  }
0x1d: {  	s5 =	simm.s32 @p1 $0x1;
	p0 =	seq.s32 s7, s2  }
0x1e: {  	s7 =	smul.u32 @!p0 $0xF7A, s2;
	p2 =	seq.s32 @!p0 s5, $0x0  }
0x1f: {  	s9 =	smul.u32 $0xF7A, s1;
	s8 =	simm.s32 @!p0 $0x1BF5;
	p2 =	por !p2, p0  }
0x20: {  	[sflag:s8] =	ssyncset.s32 @!p0 $0xFFFFF086;
	s6 =	sadd.s32 @!p0 s3, s7;
	s7 =	simm.s32 @!p0 $0x108  }
0x21: {  	s3 =	sadd.s32 s3, s9;
	s6 =	sadd.s32 @!p0 $0x88, s6;
	s7 =	simm.s32 @p2 $0x1082  }
0x22: {  	[simem:s7], [sflag:s8] =	dma.local @!p0 [hbm:s6], $0xF7A  }
0x23: {  	s9 =	sor.u32 $0xD0000000, s2;
	s6 =	simm.s32 $0x108;
	_ =	swait.ge @!p0 [sflag:s8], $0x0  }
0x24: {  	s3 =	sadd.s32 $0x88, s3;
	s6 =	simm.s32 @!p1 $0x1082;
	[sflag:s4] =	ssyncset.s32 $0xFFFFF086  }
0x25: {  	[simem:s6], [sflag:s4] =	dma.local [hbm:s3], $0xF7A  }
0x26: {  	[smem:$0x3F93] =	sst s1;
	(tag) =	ssettag s2;
	_ =	strace s9  }
0x27: {  	s1 =	sld [smem:$0x3FA3]  }
0x28: {  	s2 =	sld [smem:$0x3FA4]  }
0x29: {  	s4 =	sld [smem:$0x3FA6]  }
0x2a: {  	p0 =	seq.s32 s5, $0x0;
	s5 =	sld [smem:$0x3FA7]  }
0x2b: {  	s6 =	sld [smem:$0x3FA8]  }
0x2c: {  	s7 =	sld [smem:$0x3FA9]  }
0x2d: {  	s3 =	simm.s32 $0x108;
	s8 =	sld [smem:$0x3FAA]  }
0x2e: {  	s3 =	simm.s32 @!p0 $0x1082;
	s9 =	sld [smem:$0x3FAB]  }
0x2f: {  	lr =	sadd.s32 s0, s3;
	s0 =	sld [smem:$0x3FA2]  }
0x30: {  	s3 =	sld [smem:$0x3FA5]  }
0x31: {  	[smem:$0x3FAE] =	sst s10  }
0x32: {  	s10 =	sld [smem:$0x3FAC];
	_ =	sdelay $0x3  }
0x33: {  	p0 =	seq.s32 s10, $0x1;
	s10 =	sld [smem:$0x3FAE];
	_ =	sdelay $0x3  }
0x34: {  	[smem:$0x3FAE] =	sst s10  }
0x35: {  	s10 =	sld [smem:$0x3FAD];
	_ =	sdelay $0x3  }
0x36: {  	p1 =	seq.s32 s10, $0x1;
	s10 =	sld [smem:$0x3FAE];
	_ =	sdelay $0x3  }
0x37: {  	[smem:$0x3FAE] =	sst s10  }
0x38: {  	s10 =	sld [smem:$0x3FAF]  }
0x39: {  	_ = 	snop;
	(pc) =	sbr.ind lr, $3  }
0x3a: {  	_ = 	snop  }
0x3b: {  	_ = 	snop  }
0x3c: {  	p2 =	seq.s32 s10, $0x1;
	s10 =	sld [smem:$0x3FAE]  }
0x3d: {  	_ =	shalt  }
0x3e: {  	_ =	shalt  }
0x3f: {  	_ =	shalt  }
0x40: {  	_ =	shalt  }
0x41: {  	_ =	shalt  }
0x42: {  	_ =	shalt  }
0x43: {  	_ =	shalt  }
0x44: {  	_ =	shalt  }
0x45: {  	_ =	shalt  }
0x46: {  	_ =	shalt  }
0x47: {  	_ =	shalt  }
0x48: {  	_ =	shalt  }
0x49: {  	_ =	shalt  }
0x4a: {  	_ =	shalt  }
0x4b: {  	_ =	shalt  }
0x4c: {  	_ =	shalt  }
0x4d: {  	_ =	shalt  }
0x4e: {  	_ =	shalt  }
0x4f: {  	_ =	shalt  }
0x50: {  	_ =	shalt  }
0x51: {  	_ =	shalt  }
0x52: {  	_ =	shalt  }
0x53: {  	_ =	shalt  }
0x54: {  	_ =	shalt  }
0x55: {  	_ =	shalt  }
0x56: {  	_ =	shalt  }
0x57: {  	_ =	shalt  }
0x58: {  	_ =	shalt  }
0x59: {  	_ =	shalt  }
0x5a: {  	_ =	shalt  }
0x5b: {  	_ =	shalt  }
0x5c: {  	_ =	shalt  }
0x5d: {  	_ =	shalt  }
0x5e: {  	_ =	shalt  }
0x5f: {  	_ =	shalt  }
0x60: {  	_ =	shalt  }
0x61: {  	_ =	shalt  }
0x62: {  	_ =	shalt  }
0x63: {  	_ =	shalt  }
0x64: {  	_ =	shalt  }
0x65: {  	_ =	shalt  }
0x66: {  	_ =	shalt  }
0x67: {  	_ =	shalt  }
0x68: {  	_ =	shalt  }
0x69: {  	_ =	shalt  }
0x6a: {  	_ =	shalt  }
0x6b: {  	_ =	shalt  }
0x6c: {  	_ =	shalt  }
0x6d: {  	_ =	shalt  }
0x6e: {  	_ =	shalt  }
0x6f: {  	_ =	shalt  }
0x70: {  	_ =	shalt  }
0x71: {  	_ =	shalt  }
0x72: {  	_ =	shalt  }
0x73: {  	_ =	shalt  }
0x74: {  	_ =	shalt  }
0x75: {  	_ =	shalt  }
0x76: {  	_ =	shalt  }
0x77: {  	_ =	shalt  }
0x78: {  	_ =	shalt  }
0x79: {  	_ =	shalt  }
0x7a: {  	_ =	shalt  }
0x7b: {  	_ =	shalt  }
0x7c: {  	_ =	shalt  }
0x7d: {  	_ =	shalt  }
0x7e: {  	_ =	shalt  }
0x7f: {  	_ =	shalt  }
0x80: {  	_ =	shalt  }
0x81: {  	_ =	shalt  }
0x82: {  	_ =	shalt  }
0x83: {  	_ =	shalt  }
0x84: {  	_ =	shalt  }
0x85: {  	_ =	shalt  }
0x86: {  	_ =	shalt  }
0x87: {  	_ =	shalt  }
.Lfunc_end0:
.L_simem_size_0:
called_computation_lowered:
.L_overlay_start_0:
0x88: {  	s2 =	sld [smem:$0x3FD9]  }
0x89: {  	s3 =	sld [smem:$0x3FFE];
	_ =	sdelay $0x1  }
0x8a: {  	s1 =	srdreg.scid  }
0x8b: {  	s0 =	sand.u32 $0x1, s1  }
0x8c: {  	s17 =	sshll.u32 s0, $0xA;
	s2 =	sadd.s32 s3, s2  }
0x8d: {  	s2 =	sadd.s32 s2, s17  }
0x8e: {  	[smem:$0x3FBA] =	sst s2  }
0x8f: {  	_ = 	snop  }
0x90: {  	s2 =	sld [smem:$0x3FD0];
	(tm) =	ssettm $0x1  }
0x91: {  	s18 =	sld [smem:$0x3FFB];
	_ =	sdelay $0x3  }
0x92: {  	_ =	strace s18  }
0x93: {  	s3 =	sld [smem:$0x3FFC];
	_ =	sdelay $0x3  }
0x94: {  	_ =	strace s3  }
0x95: {  	s3 =	sld [smem:$0x3FFD];
	_ =	sdelay $0x3  }
0x96: {  	_ =	strace s3  }
0x97: {  	_ =	strace $0x8FFFFFFF  }
0x98: {  	s19 =	sld [smem:$0x3FDB];
	_ =	sdelay $0x1  }
0x99: {  	s4 =	simm.s32 $_scs_section_size  }
0x9a: {  	s5 =	simm.s32 $_size__tile_overlayer_lowered;
	s6 =	simm.s32 $_tile_overlayer_lowered  }
0x9b: {  	s22 =	simm.s32 $0x1BFF;
	s21 =	sshll.u32 s6, $0x1;
	s3 =	sadd.s32 s4, s19  }
0x9c: {  	s7 =	simm.s32 $0x0;
	s20 =	sshll.u32 s5, $0x1;
	s5 =	sadd.s32 s21, s3  }
0x9d: {  	[timem:s7], [sflag:s22] =	dma.local [hbm:s5], s20  }
0x9e: {  	_ =	swait.ge [sflag:s22], s20  }
0x9f: {  	s4 =	ssub.s32 $0x0, s20;
	[sflag:s22] =	ssyncset.done $0x0  }
0xa0: {  	[sflag:s22] =	ssyncadd.s32 s4;
	_ =	sdelay $0x1  }
0xa1: {  	s23 =	simm.s32 $0x1B8B  }
0xa2: {  	_ =	swait.ge [sflag:s23], $0x1  }
0xa3: {  	[sflag:s23] =	ssyncset.done $0x0  }
0xa4: {  	s25 =	simm.s32 $0x1B8E;
	s24 =	sld [smem:$0x3FFE];
	[sflag:s23] =	ssyncadd.s32 $0xFFFFFFFF  }
0xa5: {  	s26 =	simm.s32 $execute0_lowered;
	[smem:$0x3FD2] =	sst s25  }
0xa6: {  	s5 =	sshll.u32 s26, $0x1;
	_ =	strace $0x80000049;
	[dreg:$0x1] =	wrdreg $0xFFFFFFFF  }
0xa7: {  	s28 =	simm.s32 $_size_execute0_lowered;
	s3 =	sadd.s32 s3, s5;
	[dreg:$0x0] =	wrdreg $0x0  }
0xa8: {  	s5 =	sshll.u32 s28, $0x1;
	[dreg:$0x2] =	wrdreg s3  }
0xa9: {  	[dreg:$0x3] =	wrdreg s5  }
0xaa: {  	[dreg:$0x4] =	wrdreg $0xC0  }
0xab: {  	_ =	task [dreg:s7], $0x5FFFF  }
0xac: {  	[dreg:$0x1] =	wrdreg $0xFFFFFFFF  }
0xad: {  	[dreg:$0x0] =	wrdreg $0x60  }
0xae: {  	[dreg:$0x2] =	wrdreg s2  }
0xaf: {  	[dreg:$0x3] =	wrdreg s24  }
0xb0: {  	[dreg:$0x4] =	wrdreg $0x9E000  }
0xb1: {  	[dreg:$0x5] =	wrdreg $0x9  }
0xb2: {  	_ =	task.clear_ibuf [dreg:s7], $0x6FFFF;
	_ =	strace $0x90000049  }
0xb3: {  	s29 =	simm.s32 $0x9;
	_ =	strace $0x8000004B  }
0xb4: {  	_ =	swait.ge [sflag:s29], $0x1  }
0xb5: {  	[sflag:s29] =	ssyncadd.s32 $0xFFFFFFFF  }
0xb6: {  	_ =	strace $0x9000004B  }
0xb7: {  	_ =	sfence  }
0xb8: {  	s30 =	sld [smem:$0x0];
	_ =	sdelay $0x2  }
0xb9: {  	s31 =	sshll.u32 s1, $0xD;
	s1 =	sshrl.u32 s1, $0x2  }
0xba: {  	s3 =	sand.u32 $0x4000, s31;
	s1 =	sadd.s32 s1, s30  }
0xbb: {  	s0 =	sor.u32 s3, s0;
	s1 =	sshll.u32 s1, $0x11  }
0xbc: {  	s0 =	sor.u32 s1, s0  }
0xbd: {  	s0 =	sadd.s32 $0x8F2B, s0  }
0xbe: {  	[sflag:s0] =	ssyncadd.remote.s32 $0x1  }
0xbf: {  	_ =	sfence.sel $0xFFFF  }
0xc0: {  	[dreg:$0x0] =	wrdreg $0xFFFFFFFF;
	(pc) =	sbr.abs _section_cstart, $3  }
0xc1: {  	[dreg:$0x1] =	wrdreg $0xFFFFFFFF  }
0xc2: {  	_ =	task.clear_ibuf [dreg:s7], $0x2FFFF;
	_ =	strace $0x9FFFFFFF  }
0xc3: {  	(tm) =	ssettm $0x7FFFFFFF  }
tec
execute0_lowered:
.L_overlay_start_1:
0x0: {  	(tag) =	ssettag $0x1  }
0x1: {  	s1 =	rddreg [dreg:$0x0]  }
0x2: {  	s0 =	rddreg [dreg:$0x1]  }
0x3: {  	s3 =	rddreg [dreg:$0x2];
	s2 =	srdreg.scid  }
0x4: {  	s9 =	stileid.u32;
	s5 =	simm.s32 $0x0;
	s24 =	simm.s32 $0x880  }
0x5: {  	s25 =	simm.s32 $0x900;
	s28 =	simm.s32 $0x8A00;
	s7 =	smul.u32 $0x50000, s9  }
0x6: {  	s29 =	simm.s32 $0x5;
	s31 =	simm.s32 $0x80;
	s30 =	simm.s32 $0xA00  }
0x7: {  	s2 =	sand.u32 $0x1, s2;
	[smem:$0x7FF] =	sst s5;
	s7 =	sshrl.u32 s7, $0x2  }
0x8: {  	_ =	strace $0x8000004A;
	[dreg:$0x4] =	wrdreg s24;
	s7 =	sadd.s32 s7, s3  }
0x9: {  	s4 =	smul.u32 $0x2800, s9;
	[dreg:$0x5] =	wrdreg s25;
	s11 =	sadd.s32 $0x1400, s7  }
0xa: {  	s5 =	sadd.s32 $0xDA00, s0;
	s12 =	sadd.s32 $0x2800, s7;
	[dreg:$0x7] =	wrdreg s11  }
0xb: {  	s6 =	smul.u32 $0x28000, s2;
	s13 =	sadd.s32 $0x3C00, s7;
	[dreg:$0x8] =	wrdreg s12  }
0xc: {  	s10 =	ssub.s32 $0x2, s2;
	s14 =	sadd.s32 $0x5000, s7;
	[dreg:$0x9] =	wrdreg s13  }
0xd: {  	s2 =	sshll.u32 s2, $0x4;
	s15 =	sadd.s32 $0x6400, s7;
	[dreg:$0xa] =	wrdreg s14  }
0xe: {  	s8 =	sshrl.u32 s10, $0x1;
	s16 =	sadd.s32 $0x7800, s7;
	[dreg:$0xb] =	wrdreg s15  }
0xf: {  	s2 =	sor.u32 s9, s2;
	s17 =	sadd.s32 $0x8C00, s7;
	[dreg:$0xc] =	wrdreg s16  }
0x10: {  	s9 =	simm.s32 $0x980;
	s18 =	sadd.s32 $0xA000, s7;
	[dreg:$0xd] =	wrdreg s17  }
0x11: {  	s4 =	sadd.s32 s4, s6;
	s20 =	sadd.s32 $0xB400, s7;
	[dreg:$0xe] =	wrdreg s18  }
0x12: {  	s6 =	sadd.s32 $0x3800, s0;
	s21 =	sadd.s32 $0xC800, s7;
	[dreg:$0xf] =	wrdreg s20  }
0x13: {  	s19 =	smul.u32 $0xA, s2;
	s22 =	sadd.s32 $0xDC00, s7;
	[dreg:$0x10] =	wrdreg s21  }
0x14: {  	s2 =	smul.u32 $0x500, s2;
	s23 =	sadd.s32 $0xF000, s7;
	[dreg:$0x11] =	wrdreg s22  }
0x15: {  	s0 =	sadd.s32 s4, s0;
	s4 =	ssub.s32 s10, s8;
	[dreg:$0x12] =	wrdreg s23  }
0x16: {  	s26 =	sadd.s32 $0x10400, s7;
	s8 =	simm.s32 $0x2;
	[dreg:$0x6] =	wrdreg s19  }
0x17: {  	s10 =	simm.s32 $0x4;
	[dreg:$0x13] =	wrdreg s26;
	s21 =	sadd.s32 $0x11800, s7  }
0x18: {  	s22 =	sadd.s32 s5, s2;
	s23 =	sadd.s32 s6, s2;
	s24 =	sadd.s32 $0x17A00, s0  }
0x19: {  	s25 =	smax.u32 s4, $0x1;
	s26 =	sadd.s32 $0x12C00, s7;
	s0 =	simm.s32 $0x4A00  }
0x1a: {  	v0 =	vimm.f32 $0.0e+00;
	s2 =	simm.s32 $0x1;
	s4 =	simm.s32 $0x3;
	s11 =	simm.s32 $0x0  }
.LBB2_1:
0x1b: {  	s13 =	simm.s32 $0x0  }
0x1c: {  	s12 =	sand.u32 $0x7E00, s13  }
0x1d: {  	s13 =	sand.u32 $0x70, s13;
	s14 =	sshrl.u32 s12, $0x2  }
0x1e: {  	s12 =	simm.s32 $0x40;
	s14 =	sor.u32 s13, s14;
	s13 =	simm.s32 $0x0  }
.LBB2_2:
0x1f: {  	p0 =	sne.s32 s12, $0x4FC0  }
0x20: {  	[tilespmem:s14+$0x8A00] =	vst v0;
	s13 =	sadd.s32 $0x10, s13;
	s14 =	smov.u32 s12;
	s12 =	sadd.s32 $0x40, s12  }
.Ltmp0:
0x21: {  	(pc) =	sbr.rel @p0 .LBB2_2-.Ltmp0, $4  }
0x22: {  	_ = 	snop  }
0x23: {  	s14 =	sand.u32 $0x7E00, s14  }
0x24: {  	s15 =	sand.u32 $0x70, s13;
	s14 =	sshrl.u32 s14, $0x2  }
0x25: {  	s14 =	sor.u32 s15, s14  }
0x26: {  	[tilespmem:s14+$0x8A00] =	vst v0  }
0x27: {  	[spmem:s7] =	stream.linear.scatter [tilespmem:s28], [sflag:$0x5], $0x1400, $0x38;
	[tilespmem:$0x1DE00] =	vst v63  }
0x28: {  	_ =	swait.ge [sflag:s29], $0x1400  }
0x29: {  	[sflag:s29] =	ssyncset.done $0x0  }
0x2a: {  	s12 =	rddreg [dreg:$0x7];
	[sflag:s29] =	ssyncadd.s32 $0xFFFFEC00  }
0x2b: {  	[spmem:s12] =	stream.linear.scatter [tilespmem:s28], [sflag:$0x5], $0x1400, $0x38;
	[tilespmem:$0x1DE00] =	vst v63  }
0x2c: {  	_ =	swait.ge [sflag:s29], $0x1400  }
0x2d: {  	[sflag:s29] =	ssyncset.done $0x0  }
0x2e: {  	s19 =	rddreg [dreg:$0x8];
	[sflag:s29] =	ssyncadd.s32 $0xFFFFEC00  }
0x2f: {  	[spmem:s19] =	stream.linear.scatter [tilespmem:s28], [sflag:$0x5], $0x1400, $0x38;
	[tilespmem:$0x1DE00] =	vst v63  }
0x30: {  	_ =	swait.ge [sflag:s29], $0x1400  }
0x31: {  	[sflag:s29] =	ssyncset.done $0x0  }
0x32: {  	s20 =	rddreg [dreg:$0x9];
	[sflag:s29] =	ssyncadd.s32 $0xFFFFEC00  }
0x33: {  	[spmem:s20] =	stream.linear.scatter [tilespmem:s28], [sflag:$0x5], $0x1400, $0x38;
	[tilespmem:$0x1DE00] =	vst v63  }
0x34: {  	_ =	swait.ge [sflag:s29], $0x1400  }
0x35: {  	[sflag:s29] =	ssyncset.done $0x0  }
0x36: {  	s13 =	rddreg [dreg:$0xa];
	[sflag:s29] =	ssyncadd.s32 $0xFFFFEC00  }
0x37: {  	[spmem:s13] =	stream.linear.scatter [tilespmem:s28], [sflag:$0x5], $0x1400, $0x38;
	[tilespmem:$0x1DE00] =	vst v63  }
0x38: {  	_ =	swait.ge [sflag:s29], $0x1400  }
0x39: {  	[sflag:s29] =	ssyncset.done $0x0  }
0x3a: {  	s14 =	rddreg [dreg:$0xb];
	[sflag:s29] =	ssyncadd.s32 $0xFFFFEC00  }
0x3b: {  	[spmem:s14] =	stream.linear.scatter [tilespmem:s28], [sflag:$0x5], $0x1400, $0x38;
	[tilespmem:$0x1DE00] =	vst v63  }
0x3c: {  	_ =	swait.ge [sflag:s29], $0x1400  }
0x3d: {  	[sflag:s29] =	ssyncset.done $0x0  }
0x3e: {  	s15 =	rddreg [dreg:$0xc];
	[sflag:s29] =	ssyncadd.s32 $0xFFFFEC00  }
0x3f: {  	[spmem:s15] =	stream.linear.scatter [tilespmem:s28], [sflag:$0x5], $0x1400, $0x38;
	[tilespmem:$0x1DE00] =	vst v63  }
0x40: {  	_ =	swait.ge [sflag:s29], $0x1400  }
0x41: {  	[sflag:s29] =	ssyncset.done $0x0  }
0x42: {  	s16 =	rddreg [dreg:$0xd];
	[sflag:s29] =	ssyncadd.s32 $0xFFFFEC00  }
0x43: {  	[spmem:s16] =	stream.linear.scatter [tilespmem:s28], [sflag:$0x5], $0x1400, $0x38;
	[tilespmem:$0x1DE00] =	vst v63  }
0x44: {  	_ =	swait.ge [sflag:s29], $0x1400  }
0x45: {  	[sflag:s29] =	ssyncset.done $0x0  }
0x46: {  	s17 =	rddreg [dreg:$0xe];
	[sflag:s29] =	ssyncadd.s32 $0xFFFFEC00  }
0x47: {  	[spmem:s17] =	stream.linear.scatter [tilespmem:s28], [sflag:$0x5], $0x1400, $0x38;
	[tilespmem:$0x1DE00] =	vst v63  }
0x48: {  	_ =	swait.ge [sflag:s29], $0x1400  }
0x49: {  	[sflag:s29] =	ssyncset.done $0x0  }
0x4a: {  	s18 =	rddreg [dreg:$0xf];
	[sflag:s29] =	ssyncadd.s32 $0xFFFFEC00  }
0x4b: {  	[spmem:s18] =	stream.linear.scatter [tilespmem:s28], [sflag:$0x5], $0x1400, $0x38;
	[tilespmem:$0x1DE00] =	vst v63  }
0x4c: {  	_ =	swait.ge [sflag:s29], $0x1400  }
0x4d: {  	[sflag:s29] =	ssyncset.done $0x0  }
0x4e: {  	s19 =	rddreg [dreg:$0x10];
	[sflag:s29] =	ssyncadd.s32 $0xFFFFEC00  }
0x4f: {  	[spmem:s19] =	stream.linear.scatter [tilespmem:s28], [sflag:$0x5], $0x1400, $0x38;
	[tilespmem:$0x1DE00] =	vst v63  }
0x50: {  	_ =	swait.ge [sflag:s29], $0x1400  }
0x51: {  	[sflag:s29] =	ssyncset.done $0x0  }
0x52: {  	s20 =	rddreg [dreg:$0x11];
	[sflag:s29] =	ssyncadd.s32 $0xFFFFEC00  }
0x53: {  	[spmem:s20] =	stream.linear.scatter [tilespmem:s28], [sflag:$0x5], $0x1400, $0x38;
	[tilespmem:$0x1DE00] =	vst v63  }
0x54: {  	_ =	swait.ge [sflag:s29], $0x1400  }
0x55: {  	[sflag:s29] =	ssyncset.done $0x0  }
0x56: {  	s13 =	rddreg [dreg:$0x12];
	[sflag:s29] =	ssyncadd.s32 $0xFFFFEC00  }
0x57: {  	[spmem:s13] =	stream.linear.scatter [tilespmem:s28], [sflag:$0x5], $0x1400, $0x38;
	[tilespmem:$0x1DE00] =	vst v63  }
0x58: {  	_ =	swait.ge [sflag:s29], $0x1400  }
0x59: {  	[sflag:s29] =	ssyncset.done $0x0  }
0x5a: {  	s14 =	rddreg [dreg:$0x13];
	[sflag:s29] =	ssyncadd.s32 $0xFFFFEC00  }
0x5b: {  	[spmem:s14] =	stream.linear.scatter [tilespmem:s28], [sflag:$0x5], $0x1400, $0x38;
	[tilespmem:$0x1DE00] =	vst v63  }
0x5c: {  	_ =	swait.ge [sflag:s29], $0x1400  }
0x5d: {  	[sflag:s29] =	ssyncset.done $0x0  }
0x5e: {  	[sflag:s29] =	ssyncadd.s32 $0xFFFFEC00  }
0x5f: {  	[spmem:s21] =	stream.linear.scatter [tilespmem:s28], [sflag:$0x5], $0x1400, $0x38;
	[tilespmem:$0x1DE00] =	vst v63  }
0x60: {  	_ =	swait.ge [sflag:s29], $0x1400  }
0x61: {  	[sflag:s29] =	ssyncset.done $0x0  }
0x62: {  	[sflag:s29] =	ssyncadd.s32 $0xFFFFEC00  }
0x63: {  	[spmem:s26] =	stream.linear.scatter [tilespmem:s28], [sflag:$0x5], $0x1400, $0x38;
	[tilespmem:$0x1DE00] =	vst v63  }
0x64: {  	_ =	swait.ge [sflag:s29], $0x1400  }
0x65: {  	[sflag:s29] =	ssyncset.done $0x0  }
0x66: {  	[sflag:s29] =	ssyncadd.s32 $0xFFFFEC00  }
0x67: {  	s15 =	simm.s32 $0x0;
	[bflag:$0x0] =	sbarrier.arrive $0xFFFF  }
0x68: {  	[tilespmem:s15], [sflag:$0x5] =	stream.linear.gather [hbm4b:s22+s15], $0x400, $0x38;
	[tilespmem:$0x1DE00] =	vst v63  }
0x69: {  	_ =	swait.ge [sflag:s29], $0x400  }
0x6a: {  	[sflag:s29] =	ssyncset.done $0x0  }
0x6b: {  	s13 =	simm.s32 $0x400;
	[sflag:s29] =	ssyncadd.s32 $0xFFFFFC00  }
0x6c: {  	[tilespmem:s13], [sflag:$0x5] =	stream.linear.gather [hbm4b:s23+s15], $0x400, $0x38;
	[tilespmem:$0x1DE00] =	vst v63  }
0x6d: {  	_ =	swait.ge [sflag:s29], $0x400  }
0x6e: {  	[sflag:s29] =	ssyncset.done $0x0  }
0x6f: {  	[sflag:s29] =	ssyncadd.s32 $0xFFFFFC00  }
0x70: {  	v1 =	vld [tilespmem:$0x0]  }
0x71: {  	v2 =	vld [tilespmem:$0x400]  }
0x72: {  	v3 =	vld [tilespmem:$0x10]  }
0x73: {  	v4 =	vld [tilespmem:$0x410]  }
0x74: {  	v5 =	vld [tilespmem:$0x20]  }
0x75: {  	[tilespmem:$0x800] =	vst v1;
	v1 =	vld [tilespmem:$0x420]  }
0x76: {  	v60 =	vld [tilespmem:$0x40];
	[tilespmem:$0x900] =	vst v2  }
0x77: {  	v61 =	vld [tilespmem:$0x440];
	[tilespmem:$0x810] =	vst v3  }
0x78: {  	v2 =	vld [tilespmem:$0x30];
	[tilespmem:$0x910] =	vst v4  }
0x79: {  	v3 =	vld [tilespmem:$0x430];
	[tilespmem:$0x820] =	vst v5  }
0x7a: {  	[tilespmem:$0x920] =	vst v1;
	v1 =	vld [tilespmem:$0x50]  }
0x7b: {  	v62 =	vld [tilespmem:$0x460];
	[tilespmem:$0x840] =	vst v60  }
0x7c: {  	v63 =	vld [tilespmem:$0x70];
	[tilespmem:$0x940] =	vst v61  }
0x7d: {  	[tilespmem:$0x830] =	vst v2;
	v2 =	vld [tilespmem:$0x450]  }
0x7e: {  	[tilespmem:$0x930] =	vst v3;
	v3 =	vld [tilespmem:$0x60]  }
0x7f: {  	[tilespmem:$0x850] =	vst v1;
	v1 =	vld [tilespmem:$0x470]  }
0x80: {  	[tilespmem:$0x960] =	vst v62  }
0x81: {  	[tilespmem:$0x870] =	vst v63  }
0x82: {  	[tilespmem:$0x950] =	vst v2  }
0x83: {  	p0 =	por $0x1, $0x1;
	[tilespmem:$0x860] =	vst v3  }
0x84: {  	s16 =	simm.s32 $0x800;
	s13 =	simm.s32 @!p0 $0x4;
	[tilespmem:$0x970] =	vst v1  }
0x85: {  	[tilespmem:s30], [sflag:$0x1] =	stream.indirect.gather [hbm4b:s1+s31], $0x80, s16, s31, $0xb8;
	[tilespmem:$0x1DE00] =	vst v63  }
0x86: {  	_ =	swait.ge @!p0 [sflag:s13], $0x4000  }
0x87: {  	s17 =	simm.s32 $0x0;
	[sflag:s13] =	ssyncset.done @!p0 $0x0  }
0x88: {  	s18 =	sand.u32 $0x300, s17;
	[sflag:s13] =	ssyncadd.s32 @!p0 $0xFFFFC000  }
0x89: {  	v1 =	vld [tilespmem:s18+$0x80];
	_ =	sdelay $0x4  }
0x8a: {  	[tilespmem:$0x880] =	vst v1  }
0x8b: {  	v1 =	vld [tilespmem:s18+$0x480];
	_ =	sdelay $0x4  }
0x8c: {  	[tilespmem:$0x980] =	vst v1  }
0x8d: {  	v1 =	vld [tilespmem:s18+$0x90];
	_ =	sdelay $0x4  }
0x8e: {  	[tilespmem:$0x890] =	vst v1  }
0x8f: {  	v1 =	vld [tilespmem:s18+$0x490];
	_ =	sdelay $0x4  }
0x90: {  	[tilespmem:$0x990] =	vst v1  }
0x91: {  	v1 =	vld [tilespmem:s18+$0xA0];
	_ =	sdelay $0x4  }
0x92: {  	[tilespmem:$0x8A0] =	vst v1  }
0x93: {  	v1 =	vld [tilespmem:s18+$0x4A0];
	_ =	sdelay $0x4  }
0x94: {  	[tilespmem:$0x9A0] =	vst v1  }
0x95: {  	v1 =	vld [tilespmem:s18+$0xB0];
	_ =	sdelay $0x4  }
0x96: {  	[tilespmem:$0x8B0] =	vst v1  }
0x97: {  	v1 =	vld [tilespmem:s18+$0x4B0];
	_ =	sdelay $0x4  }
0x98: {  	[tilespmem:$0x9B0] =	vst v1  }
0x99: {  	v1 =	vld [tilespmem:s18+$0xC0];
	_ =	sdelay $0x4  }
0x9a: {  	[tilespmem:$0x8C0] =	vst v1  }
0x9b: {  	v1 =	vld [tilespmem:s18+$0x4C0];
	_ =	sdelay $0x4  }
0x9c: {  	[tilespmem:$0x9C0] =	vst v1  }
0x9d: {  	v1 =	vld [tilespmem:s18+$0xD0];
	_ =	sdelay $0x4  }
0x9e: {  	[tilespmem:$0x8D0] =	vst v1  }
0x9f: {  	v1 =	vld [tilespmem:s18+$0x4D0];
	_ =	sdelay $0x4  }
0xa0: {  	[tilespmem:$0x9D0] =	vst v1  }
0xa1: {  	v1 =	vld [tilespmem:s18+$0xE0];
	_ =	sdelay $0x4  }
0xa2: {  	[tilespmem:$0x8E0] =	vst v1  }
0xa3: {  	v1 =	vld [tilespmem:s18+$0x4E0];
	_ =	sdelay $0x4  }
0xa4: {  	[tilespmem:$0x9E0] =	vst v1  }
0xa5: {  	v1 =	vld [tilespmem:s18+$0xF0];
	_ =	sdelay $0x4  }
0xa6: {  	[tilespmem:$0x8F0] =	vst v1  }
0xa7: {  	v1 =	vld [tilespmem:s18+$0x4F0];
	_ =	sdelay $0x4  }
0xa8: {  	s19 =	rddreg [dreg:$0x4];
	[tilespmem:$0x9F0] =	vst v1  }
0xa9: {  	[tilespmem:s0], [sflag:$0x2] =	stream.indirect.gather [hbm4b:s1+s31], $0x80, s19, s31, $0xb8;
	[tilespmem:$0x1DE00] =	vst v63  }
0xaa: {  	_ =	swait.ge [sflag:s2], $0x4000  }
0xab: {  	s12 =	sand.u32 $0x3, s15;
	[sflag:s2] =	ssyncset.done $0x0  }
0xac: {  	p0 =	por $0x0, $0x0;
	s20 =	rddreg [dreg:$0x5];
	[sflag:s2] =	ssyncadd.s32 $0xFFFFC000  }
0xad: {  	[spmem:s3] =	stream.indirect.scatter.add.f32 [tilespmem:s30], [sflag:$0x3], $0x80, s20, s31, $0xb8;
	[tilespmem:$0x1DE00] =	vst v63  }
0xae: {  	p1 =	sne.s32 @!p0 s12, $0x3;
	_ =	swait.ge [sflag:s4], $0x4000  }
0xaf: {  	p1 =	por p1, p0;
	s13 =	rddreg [dreg:$0x6]  }
0xb0: {  	s12 =	sadd.s32 @!p1 $0x0, s13  }
0xb1: {  	s12 =	sshll.u32 @!p1 s12, $0x7  }
0xb2: {  	s15 =	simm.s32 @!p1 $0x0;
	[sflag:s4] =	ssyncset.done $0x0;
	s12 =	sand.u32 @!p1 $0x1FFFFF80, s12  }
0xb3: {  	s13 =	simm.s32 @!p1 $0x5;
	[sflag:s4] =	ssyncadd.s32 $0xFFFFC000;
	s14 =	sadd.s32 @!p1 s5, s12  }
0xb4: {  	[tilespmem:s15], [sflag:$0x5] =	stream.linear.gather @!p1 [hbm4b:s14+s15], $0x400, $0x38;
	[tilespmem:$0x1DE00] =	vst v63  }
0xb5: {  	_ =	swait.ge @!p1 [sflag:s13], $0x400  }
0xb6: {  	[sflag:s13] =	ssyncset.done @!p1 $0x0  }
0xb7: {  	s12 =	sadd.s32 @!p1 s6, s12;
	s14 =	simm.s32 @!p1 $0x400;
	[sflag:s13] =	ssyncadd.s32 @!p1 $0xFFFFFC00  }
0xb8: {  	[tilespmem:s14], [sflag:$0x5] =	stream.linear.gather @!p1 [hbm4b:s12+s15], $0x400, $0x38;
	[tilespmem:$0x1DE00] =	vst v63  }
0xb9: {  	_ =	swait.ge @!p1 [sflag:s13], $0x400  }
0xba: {  	s12 =	simm.s32 $0x100;
	[sflag:s13] =	ssyncset.done @!p1 $0x0  }
0xbb: {  	s12 =	sand.u32 @!p0 $0x300, s12;
	[sflag:s13] =	ssyncadd.s32 @!p1 $0xFFFFFC00  }
0xbc: {  	v1 =	vld @!p0 [tilespmem:s12+$0x0];
	_ =	sdelay $0x4  }
0xbd: {  	[tilespmem:$0x800] =	vst @!p0 v1  }
0xbe: {  	v1 =	vld @!p0 [tilespmem:s12+$0x400];
	_ =	sdelay $0x4  }
0xbf: {  	[tilespmem:$0x900] =	vst @!p0 v1  }
0xc0: {  	v1 =	vld @!p0 [tilespmem:s12+$0x10];
	_ =	sdelay $0x4  }
0xc1: {  	[tilespmem:$0x810] =	vst @!p0 v1  }
0xc2: {  	v1 =	vld @!p0 [tilespmem:s12+$0x410];
	_ =	sdelay $0x4  }
0xc3: {  	[tilespmem:$0x910] =	vst @!p0 v1  }
0xc4: {  	v1 =	vld @!p0 [tilespmem:s12+$0x20];
	_ =	sdelay $0x4  }
0xc5: {  	[tilespmem:$0x820] =	vst @!p0 v1  }
0xc6: {  	v1 =	vld @!p0 [tilespmem:s12+$0x420];
	_ =	sdelay $0x4  }
0xc7: {  	[tilespmem:$0x920] =	vst @!p0 v1  }
0xc8: {  	v1 =	vld @!p0 [tilespmem:s12+$0x30];
	_ =	sdelay $0x4  }
0xc9: {  	[tilespmem:$0x830] =	vst @!p0 v1  }
0xca: {  	v1 =	vld @!p0 [tilespmem:s12+$0x430];
	_ =	sdelay $0x4  }
0xcb: {  	[tilespmem:$0x930] =	vst @!p0 v1  }
0xcc: {  	v1 =	vld @!p0 [tilespmem:s12+$0x40];
	_ =	sdelay $0x4  }
0xcd: {  	[tilespmem:$0x840] =	vst @!p0 v1  }
0xce: {  	v1 =	vld @!p0 [tilespmem:s12+$0x440];
	_ =	sdelay $0x4  }
0xcf: {  	[tilespmem:$0x940] =	vst @!p0 v1  }
0xd0: {  	v1 =	vld @!p0 [tilespmem:s12+$0x50];
	_ =	sdelay $0x4  }
0xd1: {  	[tilespmem:$0x850] =	vst @!p0 v1  }
0xd2: {  	v1 =	vld @!p0 [tilespmem:s12+$0x450];
	_ =	sdelay $0x4  }
0xd3: {  	[tilespmem:$0x950] =	vst @!p0 v1  }
0xd4: {  	v1 =	vld @!p0 [tilespmem:s12+$0x60];
	_ =	sdelay $0x4  }
0xd5: {  	[tilespmem:$0x860] =	vst @!p0 v1  }
0xd6: {  	v1 =	vld @!p0 [tilespmem:s12+$0x460];
	_ =	sdelay $0x4  }
0xd7: {  	[tilespmem:$0x960] =	vst @!p0 v1  }
0xd8: {  	v1 =	vld @!p0 [tilespmem:s12+$0x70];
	_ =	sdelay $0x4  }
0xd9: {  	[tilespmem:$0x870] =	vst @!p0 v1  }
0xda: {  	v1 =	vld @!p0 [tilespmem:s12+$0x470];
	_ =	sdelay $0x3  }
0xdb: {  	s14 =	simm.s32 @!p0 $0x800  }
0xdc: {  	s15 =	simm.s32 @!p0 $0xA00;
	s13 =	simm.s32 @!p0 $0x80;
	p1 =	por $0x0, $0x0;
	[tilespmem:$0x970] =	vst @!p0 v1  }
0xdd: {  	[tilespmem:s15], [sflag:$0x1] =	stream.indirect.gather @!p0 [hbm4b:s1+s13], $0x80, s14, s13, $0xb8;
	[tilespmem:$0x1DE00] =	vst v63  }
0xde: {  	s12 =	simm.s32 $0x200;
	s15 =	simm.s32 $0x300;
	_ =	swait.ge [sflag:s8], $0x4000  }
0xdf: {  	s13 =	simm.s32 $0x4;
	s14 =	simm.s32 $0x1;
	[sflag:s8] =	ssyncset.done $0x0  }
.LBB2_4:
0xe0: {  	s17 =	simm.s32 @!p1 $0x4;
	[sflag:s8] =	ssyncadd.s32 $0xFFFFC000  }
0xe1: {  	[spmem:s3] =	stream.indirect.scatter.add.f32 [tilespmem:s0], [sflag:$0x4], $0x80, s9, s31, $0xb8;
	[tilespmem:$0x1DE00] =	vst v63  }
0xe2: {  	_ =	swait.ge @!p1 [sflag:s17], $0x4000  }
0xe3: {  	s18 =	sadd.s32 $0xFFFFFF00, s12;
	[sflag:s17] =	ssyncset.done @!p1 $0x0  }
0xe4: {  	s18 =	sand.u32 $0x300, s18;
	[sflag:s17] =	ssyncadd.s32 @!p1 $0xFFFFC000  }
0xe5: {  	v1 =	vld [tilespmem:s18+$0x80];
	_ =	sdelay $0x4  }
0xe6: {  	[tilespmem:$0x880] =	vst v1  }
0xe7: {  	v1 =	vld [tilespmem:s18+$0x480];
	_ =	sdelay $0x4  }
0xe8: {  	[tilespmem:$0x980] =	vst v1  }
0xe9: {  	v1 =	vld [tilespmem:s18+$0x90];
	_ =	sdelay $0x4  }
0xea: {  	[tilespmem:$0x890] =	vst v1  }
0xeb: {  	v1 =	vld [tilespmem:s18+$0x490];
	_ =	sdelay $0x4  }
0xec: {  	[tilespmem:$0x990] =	vst v1  }
0xed: {  	v1 =	vld [tilespmem:s18+$0xA0];
	_ =	sdelay $0x4  }
0xee: {  	[tilespmem:$0x8A0] =	vst v1  }
0xef: {  	v1 =	vld [tilespmem:s18+$0x4A0];
	_ =	sdelay $0x4  }
0xf0: {  	[tilespmem:$0x9A0] =	vst v1  }
0xf1: {  	v1 =	vld [tilespmem:s18+$0xB0];
	_ =	sdelay $0x4  }
0xf2: {  	[tilespmem:$0x8B0] =	vst v1  }
0xf3: {  	v1 =	vld [tilespmem:s18+$0x4B0];
	_ =	sdelay $0x4  }
0xf4: {  	[tilespmem:$0x9B0] =	vst v1  }
0xf5: {  	v1 =	vld [tilespmem:s18+$0xC0];
	_ =	sdelay $0x4  }
0xf6: {  	[tilespmem:$0x8C0] =	vst v1  }
0xf7: {  	v1 =	vld [tilespmem:s18+$0x4C0];
	_ =	sdelay $0x4  }
0xf8: {  	[tilespmem:$0x9C0] =	vst v1  }
0xf9: {  	v1 =	vld [tilespmem:s18+$0xD0];
	_ =	sdelay $0x4  }
0xfa: {  	[tilespmem:$0x8D0] =	vst v1  }
0xfb: {  	v1 =	vld [tilespmem:s18+$0x4D0];
	_ =	sdelay $0x4  }
0xfc: {  	[tilespmem:$0x9D0] =	vst v1  }
0xfd: {  	v1 =	vld [tilespmem:s18+$0xE0];
	_ =	sdelay $0x4  }
0xfe: {  	[tilespmem:$0x8E0] =	vst v1  }
0xff: {  	v1 =	vld [tilespmem:s18+$0x4E0];
	_ =	sdelay $0x4  }
0x100: {  	[tilespmem:$0x9E0] =	vst v1  }
0x101: {  	v1 =	vld [tilespmem:s18+$0xF0];
	_ =	sdelay $0x4  }
0x102: {  	[tilespmem:$0x8F0] =	vst v1  }
0x103: {  	v1 =	vld [tilespmem:s18+$0x4F0];
	_ =	sdelay $0x4  }
0x104: {  	s19 =	rddreg [dreg:$0x4];
	[tilespmem:$0x9F0] =	vst v1  }
0x105: {  	[tilespmem:s0], [sflag:$0x2] =	stream.indirect.gather [hbm4b:s1+s31], $0x80, s19, s31, $0xb8;
	[tilespmem:$0x1DE00] =	vst v63  }
0x106: {  	_ =	swait.ge [sflag:s2], $0x4000  }
0x107: {  	s17 =	sand.u32 $0x3, s14;
	p1 =	seq.s32 s12, $0x2800;
	[sflag:s2] =	ssyncset.done $0x0  }
0x108: {  	p2 =	sne.s32 @!p1 s17, $0x3;
	s20 =	rddreg [dreg:$0x5];
	[sflag:s2] =	ssyncadd.s32 $0xFFFFC000  }
0x109: {  	[spmem:s3] =	stream.indirect.scatter.add.f32 [tilespmem:s30], [sflag:$0x3], $0x80, s20, s31, $0xb8;
	[tilespmem:$0x1DE00] =	vst v63  }
0x10a: {  	p2 =	por p2, p1;
	_ =	swait.ge [sflag:s4], $0x4000  }
0x10b: {  	s18 =	sshrl.u32 @!p2 s13, $0x3;
	s17 =	rddreg [dreg:$0x6]  }
0x10c: {  	s17 =	sadd.s32 @!p2 s17, s18  }
0x10d: {  	s17 =	sshll.u32 @!p2 s17, $0x7  }
0x10e: {  	s20 =	simm.s32 @!p2 $0x0;
	[sflag:s4] =	ssyncset.done $0x0;
	s17 =	sand.u32 @!p2 $0x1FFFFF80, s17  }
0x10f: {  	s18 =	simm.s32 @!p2 $0x5;
	[sflag:s4] =	ssyncadd.s32 $0xFFFFC000;
	s19 =	sadd.s32 @!p2 s5, s17  }
0x110: {  	[tilespmem:s20], [sflag:$0x5] =	stream.linear.gather @!p2 [hbm4b:s19+s20], $0x400, $0x38;
	[tilespmem:$0x1DE00] =	vst v63  }
0x111: {  	_ =	swait.ge @!p2 [sflag:s18], $0x400  }
0x112: {  	[sflag:s18] =	ssyncset.done @!p2 $0x0  }
0x113: {  	s17 =	sadd.s32 @!p2 s6, s17;
	s19 =	simm.s32 @!p2 $0x400;
	[sflag:s18] =	ssyncadd.s32 @!p2 $0xFFFFFC00  }
0x114: {  	[tilespmem:s19], [sflag:$0x5] =	stream.linear.gather @!p2 [hbm4b:s17+s20], $0x400, $0x38;
	[tilespmem:$0x1DE00] =	vst v63  }
0x115: {  	_ =	swait.ge @!p2 [sflag:s18], $0x400  }
0x116: {  	[sflag:s18] =	ssyncset.done @!p2 $0x0  }
0x117: {  	s17 =	sand.u32 @!p1 $0x300, s12;
	[sflag:s18] =	ssyncadd.s32 @!p2 $0xFFFFFC00  }
0x118: {  	v1 =	vld @!p1 [tilespmem:s17+$0x0];
	_ =	sdelay $0x4  }
0x119: {  	[tilespmem:$0x800] =	vst @!p1 v1  }
0x11a: {  	v1 =	vld @!p1 [tilespmem:s17+$0x400];
	_ =	sdelay $0x4  }
0x11b: {  	[tilespmem:$0x900] =	vst @!p1 v1  }
0x11c: {  	v1 =	vld @!p1 [tilespmem:s17+$0x10];
	_ =	sdelay $0x4  }
0x11d: {  	[tilespmem:$0x810] =	vst @!p1 v1  }
0x11e: {  	v1 =	vld @!p1 [tilespmem:s17+$0x410];
	_ =	sdelay $0x4  }
0x11f: {  	[tilespmem:$0x910] =	vst @!p1 v1  }
0x120: {  	v1 =	vld @!p1 [tilespmem:s17+$0x20];
	_ =	sdelay $0x4  }
0x121: {  	[tilespmem:$0x820] =	vst @!p1 v1  }
0x122: {  	v1 =	vld @!p1 [tilespmem:s17+$0x420];
	_ =	sdelay $0x4  }
0x123: {  	[tilespmem:$0x920] =	vst @!p1 v1  }
0x124: {  	v1 =	vld @!p1 [tilespmem:s17+$0x30];
	_ =	sdelay $0x4  }
0x125: {  	[tilespmem:$0x830] =	vst @!p1 v1  }
0x126: {  	v1 =	vld @!p1 [tilespmem:s17+$0x430];
	_ =	sdelay $0x4  }
0x127: {  	[tilespmem:$0x930] =	vst @!p1 v1  }
0x128: {  	v1 =	vld @!p1 [tilespmem:s17+$0x40];
	_ =	sdelay $0x4  }
0x129: {  	[tilespmem:$0x840] =	vst @!p1 v1  }
0x12a: {  	v1 =	vld @!p1 [tilespmem:s17+$0x440];
	_ =	sdelay $0x4  }
0x12b: {  	[tilespmem:$0x940] =	vst @!p1 v1  }
0x12c: {  	v1 =	vld @!p1 [tilespmem:s17+$0x50];
	_ =	sdelay $0x4  }
0x12d: {  	[tilespmem:$0x850] =	vst @!p1 v1  }
0x12e: {  	v1 =	vld @!p1 [tilespmem:s17+$0x450];
	_ =	sdelay $0x4  }
0x12f: {  	[tilespmem:$0x950] =	vst @!p1 v1  }
0x130: {  	v1 =	vld @!p1 [tilespmem:s17+$0x60];
	_ =	sdelay $0x4  }
0x131: {  	[tilespmem:$0x860] =	vst @!p1 v1  }
0x132: {  	v1 =	vld @!p1 [tilespmem:s17+$0x460];
	_ =	sdelay $0x4  }
0x133: {  	[tilespmem:$0x960] =	vst @!p1 v1  }
0x134: {  	v1 =	vld @!p1 [tilespmem:s17+$0x70];
	_ =	sdelay $0x4  }
0x135: {  	[tilespmem:$0x870] =	vst @!p1 v1  }
0x136: {  	v1 =	vld @!p1 [tilespmem:s17+$0x470];
	_ =	sdelay $0x1  }
0x137: {  	s16 =	smov.u32 s15;
	s15 =	sadd.s32 $0x100, s15  }
0x138: {  	p0 =	sne.s32 s15, $0x2900  }
.Ltmp1:
0x139: {  	s12 =	smov.u32 s16;
	(pc) =	sbr.rel @p0 .LBB2_4-.Ltmp1, $4  }
0x13a: {  	s16 =	simm.s32 @!p1 $0x80;
	s18 =	simm.s32 @!p1 $0xA00;
	s17 =	simm.s32 @!p1 $0x800;
	[tilespmem:$0x970] =	vst @!p1 v1  }
0x13b: {  	[tilespmem:s18], [sflag:$0x1] =	stream.indirect.gather @!p1 [hbm4b:s1+s16], $0x80, s17, s16, $0xb8;
	[tilespmem:$0x1DE00] =	vst v63  }
0x13c: {  	s14 =	sadd.s32 $0x1, s14;
	_ =	swait.ge [sflag:s8], $0x4000  }
0x13d: {  	s13 =	sadd.s32 $0x2, s13;
	p1 =	seq.s32 s12, $0x100;
	[sflag:s8] =	ssyncset.done $0x0  }
0x13e: {  	s15 =	simm.s32 @!p1 $0x4;
	[sflag:s8] =	ssyncadd.s32 $0xFFFFC000  }
0x13f: {  	[spmem:s3] =	stream.indirect.scatter.add.f32 [tilespmem:s0], [sflag:$0x4], $0x80, s9, s31, $0xb8;
	[tilespmem:$0x1DE00] =	vst v63  }
0x140: {  	_ =	swait.ge @!p1 [sflag:s15], $0x4000  }
0x141: {  	s16 =	sadd.s32 $0xFFFFFF00, s12;
	[sflag:s15] =	ssyncset.done @!p1 $0x0  }
0x142: {  	s16 =	sand.u32 $0x300, s16;
	[sflag:s15] =	ssyncadd.s32 @!p1 $0xFFFFC000  }
0x143: {  	v1 =	vld [tilespmem:s16+$0x80];
	_ =	sdelay $0x4  }
0x144: {  	[tilespmem:$0x880] =	vst v1  }
0x145: {  	v1 =	vld [tilespmem:s16+$0x480];
	_ =	sdelay $0x4  }
0x146: {  	[tilespmem:$0x980] =	vst v1  }
0x147: {  	v1 =	vld [tilespmem:s16+$0x90];
	_ =	sdelay $0x4  }
0x148: {  	[tilespmem:$0x890] =	vst v1  }
0x149: {  	v1 =	vld [tilespmem:s16+$0x490];
	_ =	sdelay $0x4  }
0x14a: {  	[tilespmem:$0x990] =	vst v1  }
0x14b: {  	v1 =	vld [tilespmem:s16+$0xA0];
	_ =	sdelay $0x4  }
0x14c: {  	[tilespmem:$0x8A0] =	vst v1  }
0x14d: {  	v1 =	vld [tilespmem:s16+$0x4A0];
	_ =	sdelay $0x4  }
0x14e: {  	[tilespmem:$0x9A0] =	vst v1  }
0x14f: {  	v1 =	vld [tilespmem:s16+$0xB0];
	_ =	sdelay $0x4  }
0x150: {  	[tilespmem:$0x8B0] =	vst v1  }
0x151: {  	v1 =	vld [tilespmem:s16+$0x4B0];
	_ =	sdelay $0x4  }
0x152: {  	[tilespmem:$0x9B0] =	vst v1  }
0x153: {  	v1 =	vld [tilespmem:s16+$0xC0];
	_ =	sdelay $0x4  }
0x154: {  	[tilespmem:$0x8C0] =	vst v1  }
0x155: {  	v1 =	vld [tilespmem:s16+$0x4C0];
	_ =	sdelay $0x4  }
0x156: {  	[tilespmem:$0x9C0] =	vst v1  }
0x157: {  	v1 =	vld [tilespmem:s16+$0xD0];
	_ =	sdelay $0x4  }
0x158: {  	[tilespmem:$0x8D0] =	vst v1  }
0x159: {  	v1 =	vld [tilespmem:s16+$0x4D0];
	_ =	sdelay $0x4  }
0x15a: {  	[tilespmem:$0x9D0] =	vst v1  }
0x15b: {  	v1 =	vld [tilespmem:s16+$0xE0];
	_ =	sdelay $0x4  }
0x15c: {  	[tilespmem:$0x8E0] =	vst v1  }
0x15d: {  	v1 =	vld [tilespmem:s16+$0x4E0];
	_ =	sdelay $0x4  }
0x15e: {  	[tilespmem:$0x9E0] =	vst v1  }
0x15f: {  	v1 =	vld [tilespmem:s16+$0xF0];
	_ =	sdelay $0x4  }
0x160: {  	[tilespmem:$0x8F0] =	vst v1  }
0x161: {  	v1 =	vld [tilespmem:s16+$0x4F0];
	_ =	sdelay $0x4  }
0x162: {  	s17 =	rddreg [dreg:$0x4];
	[tilespmem:$0x9F0] =	vst v1  }
0x163: {  	[tilespmem:s0], [sflag:$0x2] =	stream.indirect.gather [hbm4b:s1+s31], $0x80, s17, s31, $0xb8;
	[tilespmem:$0x1DE00] =	vst v63  }
0x164: {  	_ =	swait.ge [sflag:s2], $0x4000  }
0x165: {  	s14 =	sand.u32 $0x3, s14;
	p0 =	seq.s32 s12, $0x2800;
	[sflag:s2] =	ssyncset.done $0x0  }
0x166: {  	p1 =	sne.s32 @!p0 s14, $0x3;
	s18 =	rddreg [dreg:$0x5];
	[sflag:s2] =	ssyncadd.s32 $0xFFFFC000  }
0x167: {  	[spmem:s3] =	stream.indirect.scatter.add.f32 [tilespmem:s30], [sflag:$0x3], $0x80, s18, s31, $0xb8;
	[tilespmem:$0x1DE00] =	vst v63  }
0x168: {  	p1 =	por p1, p0;
	_ =	swait.ge [sflag:s4], $0x4000  }
0x169: {  	s13 =	sshrl.u32 @!p1 s13, $0x3;
	s14 =	rddreg [dreg:$0x6]  }
0x16a: {  	s13 =	sadd.s32 @!p1 s14, s13  }
0x16b: {  	s13 =	sshll.u32 @!p1 s13, $0x7  }
0x16c: {  	s16 =	simm.s32 @!p1 $0x0;
	[sflag:s4] =	ssyncset.done $0x0;
	s13 =	sand.u32 @!p1 $0x1FFFFF80, s13  }
0x16d: {  	s14 =	simm.s32 @!p1 $0x5;
	[sflag:s4] =	ssyncadd.s32 $0xFFFFC000;
	s15 =	sadd.s32 @!p1 s5, s13  }
0x16e: {  	[tilespmem:s16], [sflag:$0x5] =	stream.linear.gather @!p1 [hbm4b:s15+s16], $0x400, $0x38;
	[tilespmem:$0x1DE00] =	vst v63  }
0x16f: {  	_ =	swait.ge @!p1 [sflag:s14], $0x400  }
0x170: {  	[sflag:s14] =	ssyncset.done @!p1 $0x0  }
0x171: {  	s13 =	sadd.s32 @!p1 s6, s13;
	s15 =	simm.s32 @!p1 $0x400;
	[sflag:s14] =	ssyncadd.s32 @!p1 $0xFFFFFC00  }
0x172: {  	[tilespmem:s15], [sflag:$0x5] =	stream.linear.gather @!p1 [hbm4b:s13+s16], $0x400, $0x38;
	[tilespmem:$0x1DE00] =	vst v63  }
0x173: {  	_ =	swait.ge @!p1 [sflag:s14], $0x400  }
0x174: {  	[sflag:s14] =	ssyncset.done @!p1 $0x0  }
0x175: {  	s12 =	sand.u32 @!p0 $0x300, s12;
	[sflag:s14] =	ssyncadd.s32 @!p1 $0xFFFFFC00  }
0x176: {  	v1 =	vld @!p0 [tilespmem:s12+$0x0];
	_ =	sdelay $0x4  }
0x177: {  	[tilespmem:$0x800] =	vst @!p0 v1  }
0x178: {  	v1 =	vld @!p0 [tilespmem:s12+$0x400];
	_ =	sdelay $0x4  }
0x179: {  	[tilespmem:$0x900] =	vst @!p0 v1  }
0x17a: {  	v1 =	vld @!p0 [tilespmem:s12+$0x10];
	_ =	sdelay $0x4  }
0x17b: {  	[tilespmem:$0x810] =	vst @!p0 v1  }
0x17c: {  	v1 =	vld @!p0 [tilespmem:s12+$0x410];
	_ =	sdelay $0x4  }
0x17d: {  	[tilespmem:$0x910] =	vst @!p0 v1  }
0x17e: {  	v1 =	vld @!p0 [tilespmem:s12+$0x20];
	_ =	sdelay $0x4  }
0x17f: {  	[tilespmem:$0x820] =	vst @!p0 v1  }
0x180: {  	v1 =	vld @!p0 [tilespmem:s12+$0x420];
	_ =	sdelay $0x4  }
0x181: {  	[tilespmem:$0x920] =	vst @!p0 v1  }
0x182: {  	v1 =	vld @!p0 [tilespmem:s12+$0x30];
	_ =	sdelay $0x4  }
0x183: {  	[tilespmem:$0x830] =	vst @!p0 v1  }
0x184: {  	v1 =	vld @!p0 [tilespmem:s12+$0x430];
	_ =	sdelay $0x4  }
0x185: {  	[tilespmem:$0x930] =	vst @!p0 v1  }
0x186: {  	v1 =	vld @!p0 [tilespmem:s12+$0x40];
	_ =	sdelay $0x4  }
0x187: {  	[tilespmem:$0x840] =	vst @!p0 v1  }
0x188: {  	v1 =	vld @!p0 [tilespmem:s12+$0x440];
	_ =	sdelay $0x4  }
0x189: {  	[tilespmem:$0x940] =	vst @!p0 v1  }
0x18a: {  	v1 =	vld @!p0 [tilespmem:s12+$0x50];
	_ =	sdelay $0x4  }
0x18b: {  	[tilespmem:$0x850] =	vst @!p0 v1  }
0x18c: {  	v1 =	vld @!p0 [tilespmem:s12+$0x450];
	_ =	sdelay $0x4  }
0x18d: {  	[tilespmem:$0x950] =	vst @!p0 v1  }
0x18e: {  	v1 =	vld @!p0 [tilespmem:s12+$0x60];
	_ =	sdelay $0x4  }
0x18f: {  	[tilespmem:$0x860] =	vst @!p0 v1  }
0x190: {  	v1 =	vld @!p0 [tilespmem:s12+$0x460];
	_ =	sdelay $0x4  }
0x191: {  	[tilespmem:$0x960] =	vst @!p0 v1  }
0x192: {  	v1 =	vld @!p0 [tilespmem:s12+$0x70];
	_ =	sdelay $0x4  }
0x193: {  	[tilespmem:$0x870] =	vst @!p0 v1  }
0x194: {  	v1 =	vld @!p0 [tilespmem:s12+$0x470];
	_ =	sdelay $0x4  }
0x195: {  	s13 =	simm.s32 @!p0 $0x800;
	s14 =	simm.s32 @!p0 $0xA00;
	s12 =	simm.s32 @!p0 $0x80;
	[tilespmem:$0x970] =	vst @!p0 v1  }
0x196: {  	[tilespmem:s14], [sflag:$0x1] =	stream.indirect.gather @!p0 [hbm4b:s1+s12], $0x80, s13, s12, $0xb8;
	[tilespmem:$0x1DE00] =	vst v63  }
0x197: {  	_ =	swait.ge [sflag:s8], $0x4000  }
0x198: {  	[sflag:s8] =	ssyncset.done $0x0  }
0x199: {  	[sflag:s8] =	ssyncadd.s32 $0xFFFFC000  }
0x19a: {  	[spmem:s3] =	stream.indirect.scatter.add.f32 [tilespmem:s0], [sflag:$0x4], $0x80, s9, s31, $0xb8;
	[tilespmem:$0x1DE00] =	vst v63  }
0x19b: {  	s19 =	stileid.u32;
	_ =	swait.ge [sflag:s10], $0x4000  }
0x19c: {  	s20 =	sshrl.u32 s7, $0x3;
	s11 =	sadd.s32 $0x1, s11;
	[sflag:s10] =	ssyncset.done $0x0  }
0x19d: {  	s12 =	sshll.u32 s19, $0x6;
	p0 =	sne.s32 s11, s25;
	[sflag:s10] =	ssyncadd.s32 $0xFFFFC000  }
.Ltmp2:
0x19e: {  	s12 =	sor.u32 $0x1C05, s12;
	[bflag:$0x0] =	sbarrier.arrive $0xFFFF;
	(pc) =	sbr.rel @p0 .LBB2_1-.Ltmp2, $4  }
0x19f: {  	[hbm:s24], [sflag:s12] =	dma.local [spmem:s20], $0x2800  }
0x1a0: {  	_ =	swait.ge [sflag:s29], $0x2800  }
0x1a1: {  	[sflag:s29] =	ssyncset.done $0x0  }
0x1a2: {  	[sflag:s29] =	ssyncadd.s32 $0xFFFFD800  }
0x1a3: {  	_ =	sfence.sel $0x180000  }
0x1a4: {  	[bflag:$0x0] =	sbarrier.arrive $0xFFFF  }
0x1a5: {  	_ =	strace $0x9000004A  }
0x1a6: {  	s0 =	stileid.u32;
	[bflag:$0x2] =	sbarrier.arrive $0xFFFF  }
0x1a7: {  	p0 =	sne.s32 s0, $0x0;
	s0 =	rddreg [dreg:$0x3]  }
0x1a8: {  	s0 =	sadd.s32 @!p0 $0x100000, s0  }
0x1a9: {  	[sflag:s0] =	ssyncadd.tile.s32 @!p0 $0x1;
	_ =	shalt  }
.Lfunc_end2:
_tile_overlayer_lowered:
.L_overlay_start_2:
0x1aa: {  	(tag) =	ssettag $0x2  }
0x1ab: {  	s0 =	rddreg [dreg:$0x0];
	s2 =	stileid.u32  }
0x1ac: {  	s1 =	rddreg [dreg:$0x1];
	p0 =	sne.s32 s2, $0x0  }
0x1ad: {  	s3 =	rddreg [dreg:$0x2];
	[bflag:$0x3] =	sbarrier.arrive $0xFFFF;
	s2 =	simm.s32 @!p0 $0x1C05  }
0x1ae: {  	[timem:s3], [sflag:s2] =	dma.local @!p0 [hbm:s0], s1  }
0x1af: {  	s0 =	simm.s32 @!p0 $0x5  }
0x1b0: {  	_ =	swait.ge @!p0 [sflag:s0], s1  }
0x1b1: {  	s1 =	ssub.s32 @!p0 $0x0, s1;
	[sflag:s0] =	ssyncset.done @!p0 $0x0  }
0x1b2: {  	[sflag:s0] =	ssyncadd.s32 @!p0 s1  }
0x1b3: {  	[bflag:$0x3] =	sbarrier.arrive $0xFFFF  }
0x1b4: {  	_ =	shalt  }

// kernel: kernel.3.cloned.1.call-start
scs
__scs_entry_jumppad:
0x0: {  	(pc) =	sbr.rel $0x88, $3  }
0x1: {  	(tag) =	ssettag $0x0;
	lr =	simm.s32 $0x1  }
0x2: {  	[smem:$0x3F93] =	sst lr;
	_ =	strace $0xD0000000  }
0x3: {  	_ = 	snop  }
0x4: {  	_ = 	snop  }
0x5: {  	_ = 	snop  }
0x6: {  	_ = 	snop  }
0x7: {  	_ = 	snop  }
__scs_overlays_trampoline_lowered:
0x8: {  	[smem:$0x3FA2] =	sst s0  }
0x9: {  	[smem:$0x3FA3] =	sst s1  }
0xa: {  	[smem:$0x3FA4] =	sst s2  }
0xb: {  	[smem:$0x3FA5] =	sst s3  }
0xc: {  	[smem:$0x3FA6] =	sst s4  }
0xd: {  	[smem:$0x3FA7] =	sst s5  }
0xe: {  	[smem:$0x3FA8] =	sst s6  }
0xf: {  	[smem:$0x3FA9] =	sst s7  }
0x10: {  	[smem:$0x3FAA] =	sst s8  }
0x11: {  	[smem:$0x3FAB] =	sst s9;
	s0 =	simm.s32 @!p0 $0x0  }
0x12: {  	s1 =	sld [smem:$0x3F91];
	s0 =	simm.s32 @p0 $0x1  }
0x13: {  	[smem:$0x3FAC] =	sst s0;
	s0 =	simm.s32 @!p1 $0x0  }
0x14: {  	s2 =	sld [smem:$0x3F90];
	s0 =	simm.s32 @p1 $0x1  }
0x15: {  	[smem:$0x3FAD] =	sst s0;
	s0 =	simm.s32 @!p2 $0x0  }
0x16: {  	s3 =	sld [smem:$0x3FDB];
	s0 =	simm.s32 @p2 $0x1  }
0x17: {  	s4 =	simm.s32 $0x1BF5;
	[smem:$0x3FAF] =	sst s0  }
0x18: {  	s0 =	sld [smem:$0x3F92];
	_ =	swait.ge [sflag:s4], $0x0  }
0x19: {  	s7 =	sld [smem:$0x3F93]  }
0x1a: {  	s8 =	sadd.s32 $0xFFFFE003, lr  }
0x1b: {  	s9 =	sadd.s32 $0xFFFFFEF7, lr;
	s5 =	simm.s32 $0xFFFFFFFF;
	p2 =	slt.u32 s8, $0xFFFFF086  }
0x1c: {  	p1 =	slt.u32 s9, $0xF7A;
	s5 =	simm.s32 @!p2 $0x0  }
0x1d: {  	s5 =	simm.s32 @p1 $0x1;
	p0 =	seq.s32 s7, s2  }
0x1e: {  	s7 =	smul.u32 @!p0 $0xF7A, s2;
	p2 =	seq.s32 @!p0 s5, $0x0  }
0x1f: {  	s9 =	smul.u32 $0xF7A, s1;
	s8 =	simm.s32 @!p0 $0x1BF5;
	p2 =	por !p2, p0  }
0x20: {  	[sflag:s8] =	ssyncset.s32 @!p0 $0xFFFFF086;
	s6 =	sadd.s32 @!p0 s3, s7;
	s7 =	simm.s32 @!p0 $0x108  }
0x21: {  	s3 =	sadd.s32 s3, s9;
	s6 =	sadd.s32 @!p0 $0x88, s6;
	s7 =	simm.s32 @p2 $0x1082  }
0x22: {  	[simem:s7], [sflag:s8] =	dma.local @!p0 [hbm:s6], $0xF7A  }
0x23: {  	s9 =	sor.u32 $0xD0000000, s2;
	s6 =	simm.s32 $0x108;
	_ =	swait.ge @!p0 [sflag:s8], $0x0  }
0x24: {  	s3 =	sadd.s32 $0x88, s3;
	s6 =	simm.s32 @!p1 $0x1082;
	[sflag:s4] =	ssyncset.s32 $0xFFFFF086  }
0x25: {  	[simem:s6], [sflag:s4] =	dma.local [hbm:s3], $0xF7A  }
0x26: {  	[smem:$0x3F93] =	sst s1;
	(tag) =	ssettag s2;
	_ =	strace s9  }
0x27: {  	s1 =	sld [smem:$0x3FA3]  }
0x28: {  	s2 =	sld [smem:$0x3FA4]  }
0x29: {  	s4 =	sld [smem:$0x3FA6]  }
0x2a: {  	p0 =	seq.s32 s5, $0x0;
	s5 =	sld [smem:$0x3FA7]  }
0x2b: {  	s6 =	sld [smem:$0x3FA8]  }
0x2c: {  	s7 =	sld [smem:$0x3FA9]  }
0x2d: {  	s3 =	simm.s32 $0x108;
	s8 =	sld [smem:$0x3FAA]  }
0x2e: {  	s3 =	simm.s32 @!p0 $0x1082;
	s9 =	sld [smem:$0x3FAB]  }
0x2f: {  	lr =	sadd.s32 s0, s3;
	s0 =	sld [smem:$0x3FA2]  }
0x30: {  	s3 =	sld [smem:$0x3FA5]  }
0x31: {  	[smem:$0x3FAE] =	sst s10  }
0x32: {  	s10 =	sld [smem:$0x3FAC];
	_ =	sdelay $0x3  }
0x33: {  	p0 =	seq.s32 s10, $0x1;
	s10 =	sld [smem:$0x3FAE];
	_ =	sdelay $0x3  }
0x34: {  	[smem:$0x3FAE] =	sst s10  }
0x35: {  	s10 =	sld [smem:$0x3FAD];
	_ =	sdelay $0x3  }
0x36: {  	p1 =	seq.s32 s10, $0x1;
	s10 =	sld [smem:$0x3FAE];
	_ =	sdelay $0x3  }
0x37: {  	[smem:$0x3FAE] =	sst s10  }
0x38: {  	s10 =	sld [smem:$0x3FAF]  }
0x39: {  	_ = 	snop;
	(pc) =	sbr.ind lr, $3  }
0x3a: {  	_ = 	snop  }
0x3b: {  	_ = 	snop  }
0x3c: {  	p2 =	seq.s32 s10, $0x1;
	s10 =	sld [smem:$0x3FAE]  }
0x3d: {  	_ =	shalt  }
0x3e: {  	_ =	shalt  }
0x3f: {  	_ =	shalt  }
0x40: {  	_ =	shalt  }
0x41: {  	_ =	shalt  }
0x42: {  	_ =	shalt  }
0x43: {  	_ =	shalt  }
0x44: {  	_ =	shalt  }
0x45: {  	_ =	shalt  }
0x46: {  	_ =	shalt  }
0x47: {  	_ =	shalt  }
0x48: {  	_ =	shalt  }
0x49: {  	_ =	shalt  }
0x4a: {  	_ =	shalt  }
0x4b: {  	_ =	shalt  }
0x4c: {  	_ =	shalt  }
0x4d: {  	_ =	shalt  }
0x4e: {  	_ =	shalt  }
0x4f: {  	_ =	shalt  }
0x50: {  	_ =	shalt  }
0x51: {  	_ =	shalt  }
0x52: {  	_ =	shalt  }
0x53: {  	_ =	shalt  }
0x54: {  	_ =	shalt  }
0x55: {  	_ =	shalt  }
0x56: {  	_ =	shalt  }
0x57: {  	_ =	shalt  }
0x58: {  	_ =	shalt  }
0x59: {  	_ =	shalt  }
0x5a: {  	_ =	shalt  }
0x5b: {  	_ =	shalt  }
0x5c: {  	_ =	shalt  }
0x5d: {  	_ =	shalt  }
0x5e: {  	_ =	shalt  }
0x5f: {  	_ =	shalt  }
0x60: {  	_ =	shalt  }
0x61: {  	_ =	shalt  }
0x62: {  	_ =	shalt  }
0x63: {  	_ =	shalt  }
0x64: {  	_ =	shalt  }
0x65: {  	_ =	shalt  }
0x66: {  	_ =	shalt  }
0x67: {  	_ =	shalt  }
0x68: {  	_ =	shalt  }
0x69: {  	_ =	shalt  }
0x6a: {  	_ =	shalt  }
0x6b: {  	_ =	shalt  }
0x6c: {  	_ =	shalt  }
0x6d: {  	_ =	shalt  }
0x6e: {  	_ =	shalt  }
0x6f: {  	_ =	shalt  }
0x70: {  	_ =	shalt  }
0x71: {  	_ =	shalt  }
0x72: {  	_ =	shalt  }
0x73: {  	_ =	shalt  }
0x74: {  	_ =	shalt  }
0x75: {  	_ =	shalt  }
0x76: {  	_ =	shalt  }
0x77: {  	_ =	shalt  }
0x78: {  	_ =	shalt  }
0x79: {  	_ =	shalt  }
0x7a: {  	_ =	shalt  }
0x7b: {  	_ =	shalt  }
0x7c: {  	_ =	shalt  }
0x7d: {  	_ =	shalt  }
0x7e: {  	_ =	shalt  }
0x7f: {  	_ =	shalt  }
0x80: {  	_ =	shalt  }
0x81: {  	_ =	shalt  }
0x82: {  	_ =	shalt  }
0x83: {  	_ =	shalt  }
0x84: {  	_ =	shalt  }
0x85: {  	_ =	shalt  }
0x86: {  	_ =	shalt  }
0x87: {  	_ =	shalt  }
.Lfunc_end0:
.L_simem_size_0:
called_computation.1_lowered:
.L_overlay_start_0:
0x88: {  	s2 =	sld [smem:$0x3FD9]  }
0x89: {  	s3 =	sld [smem:$0x3FFE];
	_ =	sdelay $0x1  }
0x8a: {  	s1 =	srdreg.scid  }
0x8b: {  	s0 =	sand.u32 $0x1, s1  }
0x8c: {  	s17 =	sshll.u32 s0, $0xA;
	s2 =	sadd.s32 s3, s2  }
0x8d: {  	s2 =	sadd.s32 s2, s17  }
0x8e: {  	[smem:$0x3FBA] =	sst s2  }
0x8f: {  	_ = 	snop  }
0x90: {  	s2 =	sld [smem:$0x3FD0];
	(tm) =	ssettm $0x1  }
0x91: {  	s18 =	sld [smem:$0x3FFB];
	_ =	sdelay $0x3  }
0x92: {  	_ =	strace s18  }
0x93: {  	s3 =	sld [smem:$0x3FFC];
	_ =	sdelay $0x3  }
0x94: {  	_ =	strace s3  }
0x95: {  	s3 =	sld [smem:$0x3FFD];
	_ =	sdelay $0x3  }
0x96: {  	_ =	strace s3  }
0x97: {  	_ =	strace $0x8FFFFFFF  }
0x98: {  	s19 =	sld [smem:$0x3FDB];
	_ =	sdelay $0x1  }
0x99: {  	s4 =	simm.s32 $_scs_section_size  }
0x9a: {  	s5 =	simm.s32 $_size__tile_overlayer_lowered;
	s6 =	simm.s32 $_tile_overlayer_lowered  }
0x9b: {  	s22 =	simm.s32 $0x1BFF;
	s21 =	sshll.u32 s6, $0x1;
	s3 =	sadd.s32 s4, s19  }
0x9c: {  	s7 =	simm.s32 $0x0;
	s20 =	sshll.u32 s5, $0x1;
	s5 =	sadd.s32 s21, s3  }
0x9d: {  	[timem:s7], [sflag:s22] =	dma.local [hbm:s5], s20  }
0x9e: {  	_ =	swait.ge [sflag:s22], s20  }
0x9f: {  	s4 =	ssub.s32 $0x0, s20;
	[sflag:s22] =	ssyncset.done $0x0  }
0xa0: {  	[sflag:s22] =	ssyncadd.s32 s4;
	_ =	sdelay $0x1  }
0xa1: {  	s23 =	simm.s32 $0x1B8B  }
0xa2: {  	_ =	swait.ge [sflag:s23], $0x1  }
0xa3: {  	[sflag:s23] =	ssyncset.done $0x0  }
0xa4: {  	s25 =	simm.s32 $0x1B8E;
	s24 =	sld [smem:$0x3FFE];
	[sflag:s23] =	ssyncadd.s32 $0xFFFFFFFF  }
0xa5: {  	s26 =	simm.s32 $execute0_lowered;
	[smem:$0x3FD2] =	sst s25  }
0xa6: {  	s5 =	sshll.u32 s26, $0x1;
	_ =	strace $0x80000046;
	[dreg:$0x1] =	wrdreg $0xFFFFFFFF  }
0xa7: {  	s28 =	simm.s32 $_size_execute0_lowered;
	s3 =	sadd.s32 s3, s5;
	[dreg:$0x0] =	wrdreg $0x0  }
0xa8: {  	s5 =	sshll.u32 s28, $0x1;
	[dreg:$0x2] =	wrdreg s3  }
0xa9: {  	[dreg:$0x3] =	wrdreg s5  }
0xaa: {  	[dreg:$0x4] =	wrdreg $0xC0  }
0xab: {  	_ =	task [dreg:s7], $0x5FFFF  }
0xac: {  	[dreg:$0x1] =	wrdreg $0xFFFFFFFF  }
0xad: {  	[dreg:$0x0] =	wrdreg $0x60  }
0xae: {  	[dreg:$0x2] =	wrdreg s24  }
0xaf: {  	[dreg:$0x3] =	wrdreg s2  }
0xb0: {  	[dreg:$0x4] =	wrdreg $0x9  }
0xb1: {  	_ =	task.clear_ibuf [dreg:s7], $0x5FFFF;
	_ =	strace $0x90000046  }
0xb2: {  	s29 =	simm.s32 $0x9;
	_ =	strace $0x80000048  }
0xb3: {  	_ =	swait.ge [sflag:s29], $0x1  }
0xb4: {  	[sflag:s29] =	ssyncadd.s32 $0xFFFFFFFF  }
0xb5: {  	_ =	strace $0x90000048  }
0xb6: {  	_ =	sfence  }
0xb7: {  	s30 =	sld [smem:$0x0];
	_ =	sdelay $0x2  }
0xb8: {  	s31 =	sshll.u32 s1, $0xD;
	s1 =	sshrl.u32 s1, $0x2  }
0xb9: {  	s3 =	sand.u32 $0x4000, s31;
	s1 =	sadd.s32 s1, s30  }
0xba: {  	s0 =	sor.u32 s3, s0;
	s1 =	sshll.u32 s1, $0x11  }
0xbb: {  	s0 =	sor.u32 s1, s0  }
0xbc: {  	s0 =	sadd.s32 $0x8F2B, s0  }
0xbd: {  	[sflag:s0] =	ssyncadd.remote.s32 $0x1  }
0xbe: {  	_ =	sfence.sel $0xFFFF  }
0xbf: {  	[dreg:$0x0] =	wrdreg $0xFFFFFFFF;
	(pc) =	sbr.abs _section_cstart, $3  }
0xc0: {  	[dreg:$0x1] =	wrdreg $0xFFFFFFFF  }
0xc1: {  	_ =	task.clear_ibuf [dreg:s7], $0x2FFFF;
	_ =	strace $0x9FFFFFFF  }
0xc2: {  	(tm) =	ssettm $0x7FFFFFFF  }
0xc3: {  	_ =	shalt  }
tec
execute0_lowered:
.L_overlay_start_1:
0x0: {  	(tag) =	ssettag $0x1  }
0x1: {  	s0 =	srdreg.scid;
	s4 =	rddreg [dreg:$0x0]  }
0x2: {  	s5 =	rddreg [dreg:$0x1];
	s3 =	sand.u32 $0x1, s0  }
0x3: {  	s2 =	simm.s32 $0x0;
	s0 =	stileid.u32;
	s1 =	sshll.u32 s3, $0x4  }
0x4: {  	[smem:$0x7FF] =	sst s2;
	s6 =	sor.u32 s0, s1  }
0x5: {  	s8 =	sshll.u32 s0, $0x7;
	s9 =	ssub.s32 $0x2, s3;
	s7 =	sshrl.u32 s6, $0x3  }
0x6: {  	s3 =	sadd.s32 $0x3800, s4;
	s1 =	rddreg [dreg:$0x2];
	s7 =	smul.u32 $0x14000, s7  }
0x7: {  	s30 =	sand.u32 $0x380, s8;
	_ =	strace $0x80000047;
	s31 =	sshrl.u32 s9, $0x1  }
0x8: {  	s8 =	ssub.s32 s9, s31;
	s4 =	smul.u32 $0xA, s6;
	s7 =	sor.u32 s30, s7  }
0x9: {  	s9 =	simm.s32 $0x80;
	s6 =	smax.u32 s8, $0x1;
	s7 =	sshrl.u32 s7, $0x3  }
0xa: {  	v0 =	vimm.f32 $0.0e+00;
	v1 =	vimm.f32 $1.000000000e+00;
	s8 =	simm.s32 $0x400;
	s5 =	sadd.s32 s5, s7;
	s7 =	simm.s32 $0x1  }
.LBB2_1:
0xb: {  	s10 =	simm.s32 $0x40;
	s11 =	simm.s32 $0x0  }
.LBB2_2:
0xc: {  	p0 =	sne.s32 s10, $0x9FC0;
	[tilespmem:s11+$0x400] =	vst v0;
	s11 =	smov.u32 s10;
	s10 =	sadd.s32 $0x40, s10  }
.Ltmp0:
0xd: {  	(pc) =	sbr.rel @p0 .LBB2_2-.Ltmp0, $2  }
0xe: {  	_ =	sdelay $0x2  }
0xf: {  	s11 =	sshra.s32 s11, $0x2  }
0x10: {  	[tilespmem:s11+$0x400] =	vst v0;
	s10 =	simm.s32 $0x0;
	s11 =	simm.s32 $0x0  }
.LBB2_4:
0x11: {  	s12 =	sadd.s32 s4, s11  }
0x12: {  	s12 =	sshll.u32 s12, $0x7  }
0x13: {  	s12 =	sadd.s32 s3, s12  }
0x14: {  	[tilespmem:s10], [sflag:$0x1] =	stream.linear.gather [hbm4b:s12+s10], $0x400, $0x38;
	[tilespmem:$0x2C00] =	vst v63  }
0x15: {  	s31 =	sand.u32 $0xE00, s10;
	_ =	swait.ge [sflag:s7], $0x400  }
0x16: {  	s13 =	sand.u32 $0x70, s10;
	s12 =	sshrl.u32 s31, $0x2;
	[sflag:s7] =	ssyncset.done $0x0  }
0x17: {  	s12 =	sor.u32 s13, s12;
	[sflag:s7] =	ssyncadd.s32 $0xFFFFFC00  }
0x18: {  	v2 =	vld [tilespmem:s12+$0x0];
	_ =	sdelay $0x4  }
0x19: {  	s14 =	simm.s32 $0x40  }
0x1a: {  	s14 =	sand.u32 $0xE00, s14;
	s13 =	simm.s32 $0x80;
	s12 =	simm.s32 $0x10  }
.LBB2_5:
0x1b: {  	p0 =	sne.s32 s13, $0xFC0;
	s15 =	sand.u32 $0x70, s12;
	s14 =	sshrl.u32 s14, $0x2  }
0x1c: {  	s14 =	sor.u32 s15, s14;
	[tilespmem:v2+s8+$0x0] =	vst.idx.add.f32.msk $0xffff, v1  }
0x1d: {  	v2 =	vld [tilespmem:s14+$0x0];
	_ =	sdelay $0x1  }
.Ltmp1:
0x1e: {  	(pc) =	sbr.rel @p0 .LBB2_5-.Ltmp1, $2  }
0x1f: {  	_ =	sdelay $0x2  }
0x20: {  	s12 =	sadd.s32 $0x10, s12;
	s14 =	sand.u32 $0xE00, s13;
	s13 =	sadd.s32 $0x40, s13  }
0x21: {  	_ =	sdelay $0x2  }
0x22: {  	s12 =	sand.u32 $0x70, s12;
	s13 =	sshrl.u32 s14, $0x2  }
0x23: {  	[tilespmem:v2+s8+$0x0] =	vst.idx.add.f32.msk $0xffff, v1;
	s12 =	sor.u32 s12, s13  }
0x24: {  	v2 =	vld [tilespmem:s12+$0x0];
	_ =	sdelay $0x1  }
0x25: {  	s11 =	sadd.s32 $0x1, s11  }
0x26: {  	p0 =	sne.s32 s11, $0xA  }
.Ltmp2:
0x27: {  	_ = 	snop;
	(pc) =	sbr.rel @p0 .LBB2_4-.Ltmp2, $2  }
0x28: {  	_ =	sdelay $0x2  }
0x29: {  	[tilespmem:v2+s8+$0x0] =	vst.idx.add.f32.msk $0xffff, v1  }
0x2a: {  	s2 =	sadd.s32 $0x1, s2  }
0x2b: {  	p0 =	sne.s32 s2, s6  }
.Ltmp3:
0x2c: {  	_ = 	snop;
	(pc) =	sbr.rel @p0 .LBB2_1-.Ltmp3, $4  }
0x2d: {  	[hbm4b:s5+s9] =	stream.strided.scatter [tilespmem:s8], [sflag:$0x1], $0x2800, s8, s9, $0x38;
	[tilespmem:$0x2C00] =	vst v63  }
0x2e: {  	_ =	swait.ge [sflag:s7], $0x2800  }
0x2f: {  	[sflag:s7] =	ssyncset.done $0x0  }
0x30: {  	[sflag:s7] =	ssyncadd.s32 $0xFFFFD800  }
0x31: {  	_ =	sfence.sel $0x180000  }
0x32: {  	[bflag:$0x0] =	sbarrier.arrive $0xFFFF  }
0x33: {  	p0 =	sne.s32 s0, $0x0;
	_ =	strace $0x90000047  }
0x34: {  	s0 =	sadd.s32 @!p0 $0x100000, s1;
	[bflag:$0x2] =	sbarrier.arrive $0xFFFF  }
0x35: {  	[sflag:s0] =	ssyncadd.tile.s32 @!p0 $0x1;
	_ =	shalt  }
.Lfunc_end2:
_tile_overlayer_lowered:
.L_overlay_start_2:
0x36: {  	(tag) =	ssettag $0x2  }
0x37: {  	s0 =	rddreg [dreg:$0x0];
	s2 =	stileid.u32  }
0x38: {  	s1 =	rddreg [dreg:$0x1];
	p0 =	sne.s32 s2, $0x0  }
0x39: {  	s3 =	rddreg [dreg:$0x2];
	[bflag:$0x3] =	sbarrier.arrive $0xFFFF;
	s2 =	simm.s32 @!p0 $0x1C01  }
0x3a: {  	[timem:s3], [sflag:s2] =	dma.local @!p0 [hbm:s0], s1  }
0x3b: {  	s0 =	simm.s32 @!p0 $0x1  }
0x3c: {  	_ =	swait.ge @!p0 [sflag:s0], s1  }
0x3d: {  	s1 =	ssub.s32 @!p0 $0x0, s1;
	[sflag:s0] =	ssyncset.done @!p0 $0x0  }
0x3e: {  	[sflag:s0] =	ssyncadd.s32 @!p0 s1  }
0x3f: {  	[bflag:$0x3] =	sbarrier.arrive $0xFFFF  }
0x40: {  	_ =	shalt  }

</sc_bundles>
